<compile_context>
chip_gen: v7x
topology: tpu7x:2x2x1
jax: 0.10.2.dev20260603
libtpu: 0.0.44.dev20260713+nightly
codegen_flags: <defaults>
</compile_context>

<pallas_src>
import functools
import jax
import jax.numpy as jnp
from jax import lax
from jax.experimental import pallas as pl
from jax.experimental.pallas import tpu as pltpu
from jax.experimental.pallas import tpu_sc as plsc

T = 2048
D = 768
E = 8
FF = 768
BT = 256
NT = (2 * T) // BT + E
TOT = NT * BT
NW = 32
CH = T // NW


def _router_body(x_ref, gw_ref, slots_ref, wts_ref, te_ref):
    x = x_ref[...]
    logits = lax.dot_general(x, gw_ref[...], (((1,), (1,)), ((), ())),
                             preferred_element_type=jnp.float32)
    lane = lax.broadcasted_iota(jnp.int32, (T, E), 1)
    i1 = jnp.argmax(logits, axis=-1)[:, None]
    l1 = jnp.max(logits, axis=-1, keepdims=True)
    masked = jnp.where(lane == i1, -jnp.inf, logits)
    i2 = jnp.argmax(masked, axis=-1)[:, None]
    l2 = jnp.max(masked, axis=-1, keepdims=True)
    z = jnp.exp(l2 - l1)
    w1 = 1.0 / (1.0 + z)
    w2 = 1.0 - w1

    onehot = jnp.logical_or(lane == i1, lane == i2).astype(jnp.bfloat16)
    r_iota = lax.broadcasted_iota(jnp.int32, (T, T), 0)
    c_iota = lax.broadcasted_iota(jnp.int32, (T, T), 1)
    lt = (c_iota < r_iota).astype(jnp.bfloat16)
    ranks = lax.dot_general(lt, onehot, (((1,), (0,)), ((), ())),
                            preferred_element_type=jnp.float32)
    counts = jnp.sum(onehot.astype(jnp.float32), axis=0, keepdims=True)
    nt = jnp.floor((counts + (BT - 1)) / BT)
    ei = lax.broadcasted_iota(jnp.int32, (E, E), 0)
    ej = lax.broadcasted_iota(jnp.int32, (E, E), 1)
    m = (ei < ej).astype(jnp.float32)
    tb = lax.dot_general(nt, m, (((1,), (0,)), ((), ())),
                         preferred_element_type=jnp.float32)
    base = tb * BT

    slot_a = jnp.sum(jnp.where(lane == i1, ranks + base, 0.0), axis=-1,
                     keepdims=True)
    slot_b = jnp.sum(jnp.where(lane == i2, ranks + base, 0.0), axis=-1,
                     keepdims=True)
    slots_ref[...] = jnp.where(
        lane == 0, slot_a, jnp.where(lane == 1, slot_b, 0.0)).astype(jnp.int32)
    wts_ref[...] = jnp.where(lane == 0, w1, jnp.where(lane == 1, w2, 0.0))

    nt_i = nt.astype(jnp.int32)
    tb_i = tb.astype(jnp.int32)
    jj = lax.broadcasted_iota(jnp.int32, (128, E), 0)
    ee = lax.broadcasted_iota(jnp.int32, (128, E), 1)
    used = jnp.logical_and(jj >= tb_i, jj < tb_i + nt_i)
    te_row = jnp.sum(jnp.where(used, ee + 1, 0), axis=-1, keepdims=True) - 1
    e_last = jnp.max(jnp.where(nt_i > 0, ee, 0), axis=-1, keepdims=True)
    e_last = jnp.max(e_last, axis=0, keepdims=True)
    te_row = jnp.where(te_row < 0, e_last, te_row)
    ntot = jnp.sum(nt_i, axis=-1, keepdims=True)
    te_full = jnp.where(jj == NT, ntot, te_row)
    te_ref[...] = te_full


def _router_call(hidden_states, gate_w):
    return pl.pallas_call(
        _router_body,
        in_specs=[
            pl.BlockSpec((T, D), lambda: (0, 0)),
            pl.BlockSpec((E, D), lambda: (0, 0)),
        ],
        out_specs=[
            pl.BlockSpec((T, E), lambda: (0, 0)),
            pl.BlockSpec((T, E), lambda: (0, 0)),
            pl.BlockSpec((128, E), lambda: (0, 0)),
        ],
        out_shape=[
            jax.ShapeDtypeStruct((T, E), jnp.int32),
            jax.ShapeDtypeStruct((T, E), jnp.float32),
            jax.ShapeDtypeStruct((128, E), jnp.int32),
        ],
    )(hidden_states, gate_w)


@functools.partial(
    pl.kernel,
    mesh=plsc.VectorSubcoreMesh(core_axis_name="c", subcore_axis_name="s"),
    out_type=jax.ShapeDtypeStruct((TOT, D), jnp.float32),
    scratch_types=[
        pltpu.VMEM((CH,), jnp.int32),
        pltpu.VMEM((CH,), jnp.int32),
        pltpu.VMEM((CH, D), jnp.float32),
        pltpu.SemaphoreType.DMA,
        pltpu.SemaphoreType.DMA,
    ],
)
def _scatter_call(x_hbm, s0_hbm, s1_hbm, xs_hbm, i0_v, i1_v, rows_v,
                  sem0, sem1):
    wid = lax.axis_index("s") * 2 + lax.axis_index("c")
    start = wid * CH
    pltpu.sync_copy(s0_hbm.at[pl.ds(start, CH)], i0_v)
    pltpu.sync_copy(s1_hbm.at[pl.ds(start, CH)], i1_v)
    pltpu.sync_copy(x_hbm.at[pl.ds(start, CH)], rows_v)
    c0 = pltpu.async_copy(rows_v, xs_hbm.at[i0_v], sem0)
    c1 = pltpu.async_copy(rows_v, xs_hbm.at[i1_v], sem1)
    c0.wait()
    c1.wait()


def _mm_body(te_ref, xs_ref, wg_ref, wu_ref, wd_ref, ys_ref):
    j = pl.program_id(0)

    @pl.when(j < te_ref[NT])
    def _():
        x = xs_ref[...].astype(jnp.bfloat16)
        g = lax.dot_general(x, wg_ref[0], (((1,), (1,)), ((), ())),
                            preferred_element_type=jnp.float32)
        u = lax.dot_general(x, wu_ref[0], (((1,), (1,)), ((), ())),
                            preferred_element_type=jnp.float32)
        h = (g * jax.nn.sigmoid(g)) * u
        ys_ref[...] = lax.dot_general(
            h.astype(jnp.bfloat16), wd_ref[0], (((1,), (1,)), ((), ())),
            preferred_element_type=jnp.float32)


def _mm_call(te_arr, xs, wg16, wu16, wd16):
    grid_spec = pltpu.PrefetchScalarGridSpec(
        num_scalar_prefetch=1,
        grid=(NT,),
        in_specs=[
            pl.BlockSpec((BT, D), lambda j, te: (j, 0)),
            pl.BlockSpec((1, FF, D), lambda j, te: (te[j], 0, 0)),
            pl.BlockSpec((1, FF, D), lambda j, te: (te[j], 0, 0)),
            pl.BlockSpec((1, D, FF), lambda j, te: (te[j], 0, 0)),
        ],
        out_specs=pl.BlockSpec((BT, D), lambda j, te: (j, 0)),
    )
    return pl.pallas_call(
        _mm_body,
        grid_spec=grid_spec,
        out_shape=jax.ShapeDtypeStruct((TOT, D), jnp.float32),
    )(te_arr, xs, wg16, wu16, wd16)


@functools.partial(
    pl.kernel,
    mesh=plsc.VectorSubcoreMesh(core_axis_name="c", subcore_axis_name="s"),
    out_type=[
        jax.ShapeDtypeStruct((T, D), jnp.float32),
        jax.ShapeDtypeStruct((T, D), jnp.float32),
    ],
    scratch_types=[
        pltpu.VMEM((CH,), jnp.int32),
        pltpu.VMEM((CH,), jnp.int32),
        pltpu.VMEM((CH, D), jnp.float32),
        pltpu.VMEM((CH, D), jnp.float32),
        pltpu.SemaphoreType.DMA,
        pltpu.SemaphoreType.DMA,
        pltpu.SemaphoreType.DMA,
        pltpu.SemaphoreType.DMA,
    ],
)
def _gather_call(ys_hbm, s0_hbm, s1_hbm, g0_hbm, g1_hbm,
                 i0_v, i1_v, y0_v, y1_v, sem0, sem1, sem2, sem3):
    wid = lax.axis_index("s") * 2 + lax.axis_index("c")
    start = wid * CH
    pltpu.sync_copy(s0_hbm.at[pl.ds(start, CH)], i0_v)
    pltpu.sync_copy(s1_hbm.at[pl.ds(start, CH)], i1_v)
    c0 = pltpu.async_copy(ys_hbm.at[i0_v], y0_v, sem0)
    c1 = pltpu.async_copy(ys_hbm.at[i1_v], y1_v, sem1)
    c0.wait()
    s0c = pltpu.async_copy(y0_v, g0_hbm.at[pl.ds(start, CH)], sem2)
    c1.wait()
    s1c = pltpu.async_copy(y1_v, g1_hbm.at[pl.ds(start, CH)], sem3)
    s0c.wait()
    s1c.wait()


def _comb_body(w_ref, g0_ref, g1_ref, out_ref):
    lane = lax.broadcasted_iota(jnp.int32, (T, E), 1)
    w = w_ref[...]
    w1 = jnp.sum(jnp.where(lane == 0, w, 0.0), axis=-1, keepdims=True)
    w2 = jnp.sum(jnp.where(lane == 1, w, 0.0), axis=-1, keepdims=True)
    out_ref[...] = w1 * g0_ref[...] + w2 * g1_ref[...]


def _comb_call(wts, g0, g1):
    return pl.pallas_call(
        _comb_body,
        in_specs=[
            pl.BlockSpec((T, E), lambda: (0, 0)),
            pl.BlockSpec((T, D), lambda: (0, 0)),
            pl.BlockSpec((T, D), lambda: (0, 0)),
        ],
        out_specs=pl.BlockSpec((T, D), lambda: (0, 0)),
        out_shape=jax.ShapeDtypeStruct((T, D), jnp.float32),
    )(wts, g0, g1)


def kernel(hidden_states, gate_w, w_gate, w_up, w_down):
    slots, wts, te_out = _router_call(hidden_states, gate_w)
    s0 = slots[:, 0]
    s1 = slots[:, 1]
    te_arr = te_out[:NT + 1, 0]
    xs = _scatter_call(hidden_states, s0, s1)
    ys = _mm_call(te_arr, xs, w_gate.astype(jnp.bfloat16),
                  w_up.astype(jnp.bfloat16), w_down.astype(jnp.bfloat16))
    g0, g1 = _gather_call(ys, s0, s1)
    return _comb_call(wts, g0, g1)

# --- scband reference (transcript-rebuilt; emitter-appended) ---
"""Pipeline reference for scband-nemotron-flash-mo-e-89850715833066 (READ-ONLY COPY).

The authoritative reference and input builder live on the scoring server;
editing this copy changes nothing except your own understanding.
"""

import jax, jax.numpy as jnp
import numpy as np

T = 2048
D = 768
E = 8
FF = 768
TOP_K = 2


def setup_inputs(seed: int = 0) -> dict:
    key = jax.random.key(seed)
    k0, k1, k2, k3, k4 = jax.random.split(key, 5)
    hidden_states = jax.random.normal(k0, (T, D), dtype=jnp.float32)
    # gate (router) linear: ReplicatedLinear(hidden_size, num_experts, bias=False)
    gate_w = jax.random.normal(k1, (E, D), dtype=jnp.float32) * 0.02
    # FusedMoE expert weights: gate_proj, up_proj (each [E, FF, D]) and down_proj [E, D, FF]
    w_gate = jax.random.normal(k2, (E, FF, D), dtype=jnp.float32) * 0.02
    w_up = jax.random.normal(k3, (E, FF, D), dtype=jnp.float32) * 0.02
    w_down = jax.random.normal(k4, (E, D, FF), dtype=jnp.float32) * 0.02
    return {
        "hidden_states": hidden_states,
        "gate_w": gate_w,
        "w_gate": w_gate,
        "w_up": w_up,
        "w_down": w_down,
    }


def reference(hidden_states, gate_w, w_gate, w_up, w_down):
    num_tokens, hidden_size = hidden_states.shape
    x = hidden_states.reshape(-1, hidden_size)
    # router logits
    router_logits = x @ gate_w.T  # [T, E]
    # FusedMoE default routing: softmax over experts, top-k, renormalize
    probs = jax.nn.softmax(router_logits, axis=-1)
    topk_w, topk_idx = jax.lax.top_k(probs, TOP_K)  # [T, k]
    topk_w = topk_w / jnp.sum(topk_w, axis=-1, keepdims=True)
    # scatter top-k weights into dense combine matrix [T, E]
    combine = jnp.zeros((num_tokens, E), dtype=x.dtype)
    combine = combine.at[jnp.arange(num_tokens)[:, None], topk_idx].add(topk_w)
    # expert FFN (SwiGLU): down( silu(gate(x)) * up(x) )
    g = jnp.einsum("td,efd->etf", x, w_gate)
    u = jnp.einsum("td,efd->etf", x, w_up)
    h = jax.nn.silu(g) * u
    out_e = jnp.einsum("etf,edf->etd", h, w_down)  # [E, T, D]
    out = jnp.einsum("etd,te->td", out_e, combine)
    return out.reshape(num_tokens, hidden_size)

if __name__ == "__main__":
    import jax
    _d = setup_inputs()
    print(jax.jit(kernel)(*tuple(_d.values())))

</pallas_src>

<mosaic_0001>
#map = affine_map<(d0, d1) -> (0, 0)>
#map1 = affine_map<(d0, d1) -> (0)>
module attributes {stable_mosaic.version = 14 : i64} {
  func.func @_gather_call(%arg0: i32, %arg1: i32, %arg2: memref<6144x768xf32, #tpu.memory_space<hbm>>, %arg3: memref<2048xi32, #tpu.memory_space<hbm>>, %arg4: memref<2048xi32, #tpu.memory_space<hbm>>, %arg5: memref<2048x768xf32, #tpu.memory_space<hbm>>, %arg6: memref<2048x768xf32, #tpu.memory_space<hbm>>, %arg7: memref<64xi32, #tpu.memory_space<vmem>>, %arg8: memref<64xi32, #tpu.memory_space<vmem>>, %arg9: memref<64x768xf32, #tpu.memory_space<vmem>>, %arg10: memref<64x768xf32, #tpu.memory_space<vmem>>, %arg11: memref<!tpu.dma_semaphore, #tpu.memory_space<semaphore_mem>>, %arg12: memref<!tpu.dma_semaphore, #tpu.memory_space<semaphore_mem>>, %arg13: memref<!tpu.dma_semaphore, #tpu.memory_space<semaphore_mem>>, %arg14: memref<!tpu.dma_semaphore, #tpu.memory_space<semaphore_mem>>) attributes {dimension_semantics = [#tpu.dimension_semantics<core_parallel>, #tpu.dimension_semantics<subcore_parallel>], iteration_bounds = array<i64: 2, 16>, scalar_prefetch = 0 : i64, scratch_operands = 8 : i64, tpu.core_type = #tpu.core_type<sc_vector_subcore>, window_params = [{transform_indices = #map}, {transform_indices = #map1}, {transform_indices = #map1}, {transform_indices = #map}, {transform_indices = #map}]} {
    %mul3A = arith.constant 2 : i32
    %mul3A_0 = arith.muli %arg1, %mul3A : i32
    %add3A = arith.addi %mul3A_0, %arg0 : i32
    %mul3A_1 = arith.constant 64 : i32
    %mul3A_2 = arith.muli %add3A, %mul3A_1 : i32
    "tpu.region"() ({
      %run_scoped3A = tpu.sem_alloc : memref<!tpu.dma_semaphore, #tpu.memory_space<semaphore_mem>>
      %dma_start3A_29 = tpu.memref_slice %arg3[%mul3A_2] : memref<2048xi32, #tpu.memory_space<hbm>> -> memref<64xi32, #tpu.memory_space<hbm>>
      %dma_start3A_30 = tpu.memref_slice %arg3[%mul3A_2] : memref<2048xi32, #tpu.memory_space<hbm>> -> memref<64xi32, #tpu.memory_space<hbm>>
      tpu.enqueue_dma source(%dma_start3A_30 : memref<64xi32, #tpu.memory_space<hbm>>) target(%arg7 : memref<64xi32, #tpu.memory_space<vmem>>) target_semaphore(%run_scoped3A : memref<!tpu.dma_semaphore, #tpu.memory_space<semaphore_mem>>)
      %dma_wait3A_31 = tpu.memref_slice %arg3[%mul3A_2] : memref<2048xi32, #tpu.memory_space<hbm>> -> memref<64xi32, #tpu.memory_space<hbm>>
      %dma_wait3A_32 = tpu.memref_slice %arg3[%mul3A_2] : memref<2048xi32, #tpu.memory_space<hbm>> -> memref<64xi32, #tpu.memory_space<hbm>>
      tpu.wait_dma2 semaphore(%run_scoped3A : memref<!tpu.dma_semaphore, #tpu.memory_space<semaphore_mem>>) src(%dma_wait3A_32 : memref<64xi32, #tpu.memory_space<hbm>>) dst(%arg7 : memref<64xi32, #tpu.memory_space<vmem>>)
      tpu.yield
    }) : () -> ()
    "tpu.region"() ({
      %run_scoped3A = tpu.sem_alloc : memref<!tpu.dma_semaphore, #tpu.memory_space<semaphore_mem>>
      %dma_start3A_29 = tpu.memref_slice %arg4[%mul3A_2] : memref<2048xi32, #tpu.memory_space<hbm>> -> memref<64xi32, #tpu.memory_space<hbm>>
      %dma_start3A_30 = tpu.memref_slice %arg4[%mul3A_2] : memref<2048xi32, #tpu.memory_space<hbm>> -> memref<64xi32, #tpu.memory_space<hbm>>
      tpu.enqueue_dma source(%dma_start3A_30 : memref<64xi32, #tpu.memory_space<hbm>>) target(%arg8 : memref<64xi32, #tpu.memory_space<vmem>>) target_semaphore(%run_scoped3A : memref<!tpu.dma_semaphore, #tpu.memory_space<semaphore_mem>>)
      %dma_wait3A_31 = tpu.memref_slice %arg4[%mul3A_2] : memref<2048xi32, #tpu.memory_space<hbm>> -> memref<64xi32, #tpu.memory_space<hbm>>
      %dma_wait3A_32 = tpu.memref_slice %arg4[%mul3A_2] : memref<2048xi32, #tpu.memory_space<hbm>> -> memref<64xi32, #tpu.memory_space<hbm>>
      tpu.wait_dma2 semaphore(%run_scoped3A : memref<!tpu.dma_semaphore, #tpu.memory_space<semaphore_mem>>) src(%dma_wait3A_32 : memref<64xi32, #tpu.memory_space<hbm>>) dst(%arg8 : memref<64xi32, #tpu.memory_space<vmem>>)
      tpu.yield
    }) : () -> ()
    %dma_start3A = arith.constant 0 : i32
    %dma_start3A_3 = arith.constant 0 : i32
    %dma_start3A_4 = tpu.memref_slice %arg2[%dma_start3A, %dma_start3A_3] : memref<6144x768xf32, #tpu.memory_space<hbm>> -> memref<6144x768xf32, #tpu.memory_space<hbm>>
    tpu.enqueue_indirect_dma source(%dma_start3A_4 : memref<6144x768xf32, #tpu.memory_space<hbm>>) target(%arg9 : memref<64x768xf32, #tpu.memory_space<vmem>>) offsets(%arg7 : memref<64xi32, #tpu.memory_space<vmem>>) semaphore(%arg11 : memref<!tpu.dma_semaphore, #tpu.memory_space<semaphore_mem>>)
    %dma_start3A_5 = arith.constant 0 : i32
    %dma_start3A_6 = arith.constant 0 : i32
    %dma_start3A_7 = tpu.memref_slice %arg2[%dma_start3A_5, %dma_start3A_6] : memref<6144x768xf32, #tpu.memory_space<hbm>> -> memref<6144x768xf32, #tpu.memory_space<hbm>>
    tpu.enqueue_indirect_dma source(%dma_start3A_7 : memref<6144x768xf32, #tpu.memory_space<hbm>>) target(%arg10 : memref<64x768xf32, #tpu.memory_space<vmem>>) offsets(%arg8 : memref<64xi32, #tpu.memory_space<vmem>>) semaphore(%arg12 : memref<!tpu.dma_semaphore, #tpu.memory_space<semaphore_mem>>)
    %dma_wait3A = arith.constant 0 : i32
    %dma_wait3A_8 = arith.constant 0 : i32
    %dma_wait3A_9 = tpu.memref_slice %arg2[%dma_wait3A, %dma_wait3A_8] : memref<6144x768xf32, #tpu.memory_space<hbm>> -> memref<6144x768xf32, #tpu.memory_space<hbm>>
    tpu.wait_indirect_dma semaphore(%arg11 : memref<!tpu.dma_semaphore, #tpu.memory_space<semaphore_mem>>) src(%dma_wait3A_9 : memref<6144x768xf32, #tpu.memory_space<hbm>>) dst(%arg9 : memref<64x768xf32, #tpu.memory_space<vmem>>)
    %dma_start3A_10 = arith.constant 0 : i32
    %dma_start3A_11 = tpu.memref_slice %arg5[%mul3A_2, %dma_start3A_10] : memref<2048x768xf32, #tpu.memory_space<hbm>> -> memref<64x768xf32, #tpu.memory_space<hbm>>
    %dma_start3A_12 = arith.constant 0 : i32
    %dma_start3A_13 = tpu.memref_slice %arg5[%mul3A_2, %dma_start3A_12] : memref<2048x768xf32, #tpu.memory_space<hbm>> -> memref<64x768xf32, #tpu.memory_space<hbm>>
    tpu.enqueue_dma source(%arg9 : memref<64x768xf32, #tpu.memory_space<vmem>>) target(%dma_start3A_13 : memref<64x768xf32, #tpu.memory_space<hbm>>) target_semaphore(%arg13 : memref<!tpu.dma_semaphore, #tpu.memory_space<semaphore_mem>>)
    %dma_wait3A_14 = arith.constant 0 : i32
    %dma_wait3A_15 = arith.constant 0 : i32
    %dma_wait3A_16 = tpu.memref_slice %arg2[%dma_wait3A_14, %dma_wait3A_15] : memref<6144x768xf32, #tpu.memory_space<hbm>> -> memref<6144x768xf32, #tpu.memory_space<hbm>>
    tpu.wait_indirect_dma semaphore(%arg12 : memref<!tpu.dma_semaphore, #tpu.memory_space<semaphore_mem>>) src(%dma_wait3A_16 : memref<6144x768xf32, #tpu.memory_space<hbm>>) dst(%arg10 : memref<64x768xf32, #tpu.memory_space<vmem>>)
    %dma_start3A_17 = arith.constant 0 : i32
    %dma_start3A_18 = tpu.memref_slice %arg6[%mul3A_2, %dma_start3A_17] : memref<2048x768xf32, #tpu.memory_space<hbm>> -> memref<64x768xf32, #tpu.memory_space<hbm>>
    %dma_start3A_19 = arith.constant 0 : i32
    %dma_start3A_20 = tpu.memref_slice %arg6[%mul3A_2, %dma_start3A_19] : memref<2048x768xf32, #tpu.memory_space<hbm>> -> memref<64x768xf32, #tpu.memory_space<hbm>>
    tpu.enqueue_dma source(%arg10 : memref<64x768xf32, #tpu.memory_space<vmem>>) target(%dma_start3A_20 : memref<64x768xf32, #tpu.memory_space<hbm>>) target_semaphore(%arg14 : memref<!tpu.dma_semaphore, #tpu.memory_space<semaphore_mem>>)
    %dma_wait3A_21 = arith.constant 0 : i32
    %dma_wait3A_22 = tpu.memref_slice %arg5[%mul3A_2, %dma_wait3A_21] : memref<2048x768xf32, #tpu.memory_space<hbm>> -> memref<64x768xf32, #tpu.memory_space<hbm>>
    %dma_wait3A_23 = arith.constant 0 : i32
    %dma_wait3A_24 = tpu.memref_slice %arg5[%mul3A_2, %dma_wait3A_23] : memref<2048x768xf32, #tpu.memory_space<hbm>> -> memref<64x768xf32, #tpu.memory_space<hbm>>
    tpu.wait_dma2 semaphore(%arg13 : memref<!tpu.dma_semaphore, #tpu.memory_space<semaphore_mem>>) src(%arg9 : memref<64x768xf32, #tpu.memory_space<vmem>>) dst(%dma_wait3A_24 : memref<64x768xf32, #tpu.memory_space<hbm>>)
    %dma_wait3A_25 = arith.constant 0 : i32
    %dma_wait3A_26 = tpu.memref_slice %arg6[%mul3A_2, %dma_wait3A_25] : memref<2048x768xf32, #tpu.memory_space<hbm>> -> memref<64x768xf32, #tpu.memory_space<hbm>>
    %dma_wait3A_27 = arith.constant 0 : i32
    %dma_wait3A_28 = tpu.memref_slice %arg6[%mul3A_2, %dma_wait3A_27] : memref<2048x768xf32, #tpu.memory_space<hbm>> -> memref<64x768xf32, #tpu.memory_space<hbm>>
    tpu.wait_dma2 semaphore(%arg14 : memref<!tpu.dma_semaphore, #tpu.memory_space<semaphore_mem>>) src(%arg10 : memref<64x768xf32, #tpu.memory_space<vmem>>) dst(%dma_wait3A_28 : memref<64x768xf32, #tpu.memory_space<hbm>>)
    return
  }
}

#map = affine_map<(d0, d1) -> (0, 0)>
#map1 = affine_map<(d0, d1) -> (0)>
module attributes {stable_mosaic.version = 14 : i64} {
  func.func @_scatter_call(%arg0: i32, %arg1: i32, %arg2: memref<2048x768xf32, #tpu.memory_space<hbm>>, %arg3: memref<2048xi32, #tpu.memory_space<hbm>>, %arg4: memref<2048xi32, #tpu.memory_space<hbm>>, %arg5: memref<6144x768xf32, #tpu.memory_space<hbm>>, %arg6: memref<64xi32, #tpu.memory_space<vmem>>, %arg7: memref<64xi32, #tpu.memory_space<vmem>>, %arg8: memref<64x768xf32, #tpu.memory_space<vmem>>, %arg9: memref<!tpu.dma_semaphore, #tpu.memory_space<semaphore_mem>>, %arg10: memref<!tpu.dma_semaphore, #tpu.memory_space<semaphore_mem>>) attributes {dimension_semantics = [#tpu.dimension_semantics<core_parallel>, #tpu.dimension_semantics<subcore_parallel>], iteration_bounds = array<i64: 2, 16>, scalar_prefetch = 0 : i64, scratch_operands = 5 : i64, tpu.core_type = #tpu.core_type<sc_vector_subcore>, window_params = [{transform_indices = #map}, {transform_indices = #map1}, {transform_indices = #map1}, {transform_indices = #map}]} {
    %mul3A = arith.constant 2 : i32
    %mul3A_0 = arith.muli %arg1, %mul3A : i32
    %add3A = arith.addi %mul3A_0, %arg0 : i32
    %mul3A_1 = arith.constant 64 : i32
    %mul3A_2 = arith.muli %add3A, %mul3A_1 : i32
    "tpu.region"() ({
      %run_scoped3A = tpu.sem_alloc : memref<!tpu.dma_semaphore, #tpu.memory_space<semaphore_mem>>
      %dma_start3A_13 = tpu.memref_slice %arg3[%mul3A_2] : memref<2048xi32, #tpu.memory_space<hbm>> -> memref<64xi32, #tpu.memory_space<hbm>>
      %dma_start3A_14 = tpu.memref_slice %arg3[%mul3A_2] : memref<2048xi32, #tpu.memory_space<hbm>> -> memref<64xi32, #tpu.memory_space<hbm>>
      tpu.enqueue_dma source(%dma_start3A_14 : memref<64xi32, #tpu.memory_space<hbm>>) target(%arg6 : memref<64xi32, #tpu.memory_space<vmem>>) target_semaphore(%run_scoped3A : memref<!tpu.dma_semaphore, #tpu.memory_space<semaphore_mem>>)
      %dma_wait3A_15 = tpu.memref_slice %arg3[%mul3A_2] : memref<2048xi32, #tpu.memory_space<hbm>> -> memref<64xi32, #tpu.memory_space<hbm>>
      %dma_wait3A_16 = tpu.memref_slice %arg3[%mul3A_2] : memref<2048xi32, #tpu.memory_space<hbm>> -> memref<64xi32, #tpu.memory_space<hbm>>
      tpu.wait_dma2 semaphore(%run_scoped3A : memref<!tpu.dma_semaphore, #tpu.memory_space<semaphore_mem>>) src(%dma_wait3A_16 : memref<64xi32, #tpu.memory_space<hbm>>) dst(%arg6 : memref<64xi32, #tpu.memory_space<vmem>>)
      tpu.yield
    }) : () -> ()
    "tpu.region"() ({
      %run_scoped3A = tpu.sem_alloc : memref<!tpu.dma_semaphore, #tpu.memory_space<semaphore_mem>>
      %dma_start3A_13 = tpu.memref_slice %arg4[%mul3A_2] : memref<2048xi32, #tpu.memory_space<hbm>> -> memref<64xi32, #tpu.memory_space<hbm>>
      %dma_start3A_14 = tpu.memref_slice %arg4[%mul3A_2] : memref<2048xi32, #tpu.memory_space<hbm>> -> memref<64xi32, #tpu.memory_space<hbm>>
      tpu.enqueue_dma source(%dma_start3A_14 : memref<64xi32, #tpu.memory_space<hbm>>) target(%arg7 : memref<64xi32, #tpu.memory_space<vmem>>) target_semaphore(%run_scoped3A : memref<!tpu.dma_semaphore, #tpu.memory_space<semaphore_mem>>)
      %dma_wait3A_15 = tpu.memref_slice %arg4[%mul3A_2] : memref<2048xi32, #tpu.memory_space<hbm>> -> memref<64xi32, #tpu.memory_space<hbm>>
      %dma_wait3A_16 = tpu.memref_slice %arg4[%mul3A_2] : memref<2048xi32, #tpu.memory_space<hbm>> -> memref<64xi32, #tpu.memory_space<hbm>>
      tpu.wait_dma2 semaphore(%run_scoped3A : memref<!tpu.dma_semaphore, #tpu.memory_space<semaphore_mem>>) src(%dma_wait3A_16 : memref<64xi32, #tpu.memory_space<hbm>>) dst(%arg7 : memref<64xi32, #tpu.memory_space<vmem>>)
      tpu.yield
    }) : () -> ()
    "tpu.region"() ({
      %run_scoped3A = tpu.sem_alloc : memref<!tpu.dma_semaphore, #tpu.memory_space<semaphore_mem>>
      %dma_start3A_13 = arith.constant 0 : i32
      %dma_start3A_14 = tpu.memref_slice %arg2[%mul3A_2, %dma_start3A_13] : memref<2048x768xf32, #tpu.memory_space<hbm>> -> memref<64x768xf32, #tpu.memory_space<hbm>>
      %dma_start3A_15 = arith.constant 0 : i32
      %dma_start3A_16 = tpu.memref_slice %arg2[%mul3A_2, %dma_start3A_15] : memref<2048x768xf32, #tpu.memory_space<hbm>> -> memref<64x768xf32, #tpu.memory_space<hbm>>
      tpu.enqueue_dma source(%dma_start3A_16 : memref<64x768xf32, #tpu.memory_space<hbm>>) target(%arg8 : memref<64x768xf32, #tpu.memory_space<vmem>>) target_semaphore(%run_scoped3A : memref<!tpu.dma_semaphore, #tpu.memory_space<semaphore_mem>>)
      %dma_wait3A_17 = arith.constant 0 : i32
      %dma_wait3A_18 = tpu.memref_slice %arg2[%mul3A_2, %dma_wait3A_17] : memref<2048x768xf32, #tpu.memory_space<hbm>> -> memref<64x768xf32, #tpu.memory_space<hbm>>
      %dma_wait3A_19 = arith.constant 0 : i32
      %dma_wait3A_20 = tpu.memref_slice %arg2[%mul3A_2, %dma_wait3A_19] : memref<2048x768xf32, #tpu.memory_space<hbm>> -> memref<64x768xf32, #tpu.memory_space<hbm>>
      tpu.wait_dma2 semaphore(%run_scoped3A : memref<!tpu.dma_semaphore, #tpu.memory_space<semaphore_mem>>) src(%dma_wait3A_20 : memref<64x768xf32, #tpu.memory_space<hbm>>) dst(%arg8 : memref<64x768xf32, #tpu.memory_space<vmem>>)
      tpu.yield
    }) : () -> ()
    %dma_start3A = arith.constant 0 : i32
    %dma_start3A_3 = arith.constant 0 : i32
    %dma_start3A_4 = tpu.memref_slice %arg5[%dma_start3A, %dma_start3A_3] : memref<6144x768xf32, #tpu.memory_space<hbm>> -> memref<6144x768xf32, #tpu.memory_space<hbm>>
    tpu.enqueue_indirect_dma source(%arg8 : memref<64x768xf32, #tpu.memory_space<vmem>>) target(%dma_start3A_4 : memref<6144x768xf32, #tpu.memory_space<hbm>>) offsets(%arg6 : memref<64xi32, #tpu.memory_space<vmem>>) semaphore(%arg9 : memref<!tpu.dma_semaphore, #tpu.memory_space<semaphore_mem>>)
    %dma_start3A_5 = arith.constant 0 : i32
    %dma_start3A_6 = arith.constant 0 : i32
    %dma_start3A_7 = tpu.memref_slice %arg5[%dma_start3A_5, %dma_start3A_6] : memref<6144x768xf32, #tpu.memory_space<hbm>> -> memref<6144x768xf32, #tpu.memory_space<hbm>>
    tpu.enqueue_indirect_dma source(%arg8 : memref<64x768xf32, #tpu.memory_space<vmem>>) target(%dma_start3A_7 : memref<6144x768xf32, #tpu.memory_space<hbm>>) offsets(%arg7 : memref<64xi32, #tpu.memory_space<vmem>>) semaphore(%arg10 : memref<!tpu.dma_semaphore, #tpu.memory_space<semaphore_mem>>)
    %dma_wait3A = arith.constant 0 : i32
    %dma_wait3A_8 = arith.constant 0 : i32
    %dma_wait3A_9 = tpu.memref_slice %arg5[%dma_wait3A, %dma_wait3A_8] : memref<6144x768xf32, #tpu.memory_space<hbm>> -> memref<6144x768xf32, #tpu.memory_space<hbm>>
    tpu.wait_indirect_dma semaphore(%arg9 : memref<!tpu.dma_semaphore, #tpu.memory_space<semaphore_mem>>) src(%arg8 : memref<64x768xf32, #tpu.memory_space<vmem>>) dst(%dma_wait3A_9 : memref<6144x768xf32, #tpu.memory_space<hbm>>)
    %dma_wait3A_10 = arith.constant 0 : i32
    %dma_wait3A_11 = arith.constant 0 : i32
    %dma_wait3A_12 = tpu.memref_slice %arg5[%dma_wait3A_10, %dma_wait3A_11] : memref<6144x768xf32, #tpu.memory_space<hbm>> -> memref<6144x768xf32, #tpu.memory_space<hbm>>
    tpu.wait_indirect_dma semaphore(%arg10 : memref<!tpu.dma_semaphore, #tpu.memory_space<semaphore_mem>>) src(%arg8 : memref<64x768xf32, #tpu.memory_space<vmem>>) dst(%dma_wait3A_12 : memref<6144x768xf32, #tpu.memory_space<hbm>>)
    return
  }
}

module attributes {stable_mosaic.version = 14 : i64} {
  func.func @_mm_body(%arg0: i32, %arg1: memref<25xi32, #tpu.memory_space<smem>>, %arg2: memref<256x768xf32, #tpu.memory_space<vmem>>, %arg3: memref<1x768x768xbf16, #tpu.memory_space<vmem>>, %arg4: memref<1x768x768xbf16, #tpu.memory_space<vmem>>, %arg5: memref<1x768x768xbf16, #tpu.memory_space<vmem>>, %arg6: memref<256x768xf32, #tpu.memory_space<vmem>>) attributes {dimension_semantics = [#tpu.dimension_semantics<arbitrary>], iteration_bounds = array<i64: 24>, scalar_prefetch = 1 : i64, scratch_operands = 0 : i64, tpu.core_type = #tpu.core_type<tc>, window_params = [{transform_indices = @transform_0, window_bounds = array<i64: 256, 768>}, {transform_indices = @transform_1, window_bounds = array<i64: 1, 768, 768>}, {transform_indices = @transform_2, window_bounds = array<i64: 1, 768, 768>}, {transform_indices = @transform_3, window_bounds = array<i64: 1, 768, 768>}, {transform_indices = @transform_4, window_bounds = array<i64: 256, 768>}]} {
    %get3A = arith.constant 24 : index
    %get3A_0 = memref.load %arg1[%get3A] : memref<25xi32, #tpu.memory_space<smem>>
    %lt3A = arith.cmpi slt, %arg0, %get3A_0 : i32
    %convert_element_type3A = arith.extui %lt3A : i1 to i32
    %cond3A = arith.constant 0 : i32
    %cond3A_1 = arith.cmpi ne, %convert_element_type3A, %cond3A : i32
    scf.if %cond3A_1 {
      %get3A_2 = arith.constant 0 : index
      %get3A_3 = arith.constant 0 : index
      %get3A_4 = vector.load %arg2[%get3A_2, %get3A_3] : memref<256x768xf32, #tpu.memory_space<vmem>>, vector<256x768xf32>
      %convert_element_type3A_5 = arith.truncf %get3A_4 : vector<256x768xf32> to vector<256x768xbf16>
      %get3A_6 = arith.constant 0 : index
      %get3A_7 = arith.constant 0 : index
      %get3A_8 = arith.constant 0 : index
      %get3A_9 = vector.load %arg3[%get3A_6, %get3A_7, %get3A_8] : memref<1x768x768xbf16, #tpu.memory_space<vmem>>, vector<1x768x768xbf16>
      %get3A_10 = vector.shape_cast %get3A_9 : vector<1x768x768xbf16> to vector<768x768xbf16>
      %dot_general3A = arith.constant dense<0.000000e+00> : vector<256x768xf32>
      %dot_general3A_11 = tpu.matmul %convert_element_type3A_5, %get3A_10, %dot_general3A {dimension_numbers = #tpu.dot_dimension_numbers<[1], [1], [0], [0], [0, 0, 1, 0], [], []>, transpose_lhs_hint = false} : vector<256x768xbf16>, vector<768x768xbf16>, vector<256x768xf32> -> vector<256x768xf32>
      %get3A_12 = arith.constant 0 : index
      %get3A_13 = arith.constant 0 : index
      %get3A_14 = arith.constant 0 : index
      %get3A_15 = vector.load %arg4[%get3A_12, %get3A_13, %get3A_14] : memref<1x768x768xbf16, #tpu.memory_space<vmem>>, vector<1x768x768xbf16>
      %get3A_16 = vector.shape_cast %get3A_15 : vector<1x768x768xbf16> to vector<768x768xbf16>
      %dot_general3A_17 = arith.constant dense<0.000000e+00> : vector<256x768xf32>
      %dot_general3A_18 = tpu.matmul %convert_element_type3A_5, %get3A_16, %dot_general3A_17 {dimension_numbers = #tpu.dot_dimension_numbers<[1], [1], [0], [0], [0, 0, 1, 0], [], []>, transpose_lhs_hint = false} : vector<256x768xbf16>, vector<768x768xbf16>, vector<256x768xf32> -> vector<256x768xf32>
      %logistic3A = arith.negf %dot_general3A_11 : vector<256x768xf32>
      %logistic3A_19 = math.exp %logistic3A : vector<256x768xf32>
      %logistic3A_20 = arith.constant 1.000000e+00 : f32
      %logistic3A_21 = vector.broadcast %logistic3A_20 : f32 to vector<256x768xf32>
      %logistic3A_22 = arith.addf %logistic3A_21, %logistic3A_19 : vector<256x768xf32>
      %logistic3A_23 = arith.divf %logistic3A_21, %logistic3A_22 : vector<256x768xf32>
      %mul3A = arith.mulf %dot_general3A_11, %logistic3A_23 : vector<256x768xf32>
      %mul3A_24 = arith.mulf %mul3A, %dot_general3A_18 : vector<256x768xf32>
      %convert_element_type3A_25 = arith.truncf %mul3A_24 : vector<256x768xf32> to vector<256x768xbf16>
      %get3A_26 = arith.constant 0 : index
      %get3A_27 = arith.constant 0 : index
      %get3A_28 = arith.constant 0 : index
      %get3A_29 = vector.load %arg5[%get3A_26, %get3A_27, %get3A_28] : memref<1x768x768xbf16, #tpu.memory_space<vmem>>, vector<1x768x768xbf16>
      %get3A_30 = vector.shape_cast %get3A_29 : vector<1x768x768xbf16> to vector<768x768xbf16>
      %dot_general3A_31 = arith.constant dense<0.000000e+00> : vector<256x768xf32>
      %dot_general3A_32 = tpu.matmul %convert_element_type3A_25, %get3A_30, %dot_general3A_31 {dimension_numbers = #tpu.dot_dimension_numbers<[1], [1], [0], [0], [0, 0, 1, 0], [], []>, transpose_lhs_hint = false} : vector<256x768xbf16>, vector<768x768xbf16>, vector<256x768xf32> -> vector<256x768xf32>
      %swap3A = arith.constant 0 : index
      %swap3A_33 = arith.constant 0 : index
      %swap3A_34 = vector.load %arg6[%swap3A, %swap3A_33] : memref<256x768xf32, #tpu.memory_space<vmem>>, vector<256x768xf32>
      tpu.vector_store %arg6[%swap3A, %swap3A_33], %dot_general3A_32 {strides = array<i32>} : memref<256x768xf32, #tpu.memory_space<vmem>>, vector<256x768xf32>,
    } else {
    }
    return
  }
  func.func @transform_0(%arg0: i32, %arg1: memref<25xi32, #tpu.memory_space<smem>>) -> (i32, i32) {
    %c0_i32 = arith.constant 0 : i32
    %c0_i32_0 = arith.constant 0 : i32
    return %arg0, %c0_i32 : i32, i32
  }
  func.func @transform_1(%arg0: i32, %arg1: memref<25xi32, #tpu.memory_space<smem>>) -> (i32, i32, i32) {
    %get3A = arith.index_cast %arg0 : i32 to index
    %get3A_0 = memref.load %arg1[%get3A] : memref<25xi32, #tpu.memory_space<smem>>
    %c0_i32 = arith.constant 0 : i32
    %c0_i32_1 = arith.constant 0 : i32
    %c0_i32_2 = arith.constant 0 : i32
    return %get3A_0, %c0_i32, %c0_i32_1 : i32, i32, i32
  }
  func.func @transform_2(%arg0: i32, %arg1: memref<25xi32, #tpu.memory_space<smem>>) -> (i32, i32, i32) {
    %get3A = arith.index_cast %arg0 : i32 to index
    %get3A_0 = memref.load %arg1[%get3A] : memref<25xi32, #tpu.memory_space<smem>>
    %c0_i32 = arith.constant 0 : i32
    %c0_i32_1 = arith.constant 0 : i32
    %c0_i32_2 = arith.constant 0 : i32
    return %get3A_0, %c0_i32, %c0_i32_1 : i32, i32, i32
  }
  func.func @transform_3(%arg0: i32, %arg1: memref<25xi32, #tpu.memory_space<smem>>) -> (i32, i32, i32) {
    %get3A = arith.index_cast %arg0 : i32 to index
    %get3A_0 = memref.load %arg1[%get3A] : memref<25xi32, #tpu.memory_space<smem>>
    %c0_i32 = arith.constant 0 : i32
    %c0_i32_1 = arith.constant 0 : i32
    %c0_i32_2 = arith.constant 0 : i32
    return %get3A_0, %c0_i32, %c0_i32_1 : i32, i32, i32
  }
  func.func @transform_4(%arg0: i32, %arg1: memref<25xi32, #tpu.memory_space<smem>>) -> (i32, i32) {
    %c0_i32 = arith.constant 0 : i32
    %c0_i32_0 = arith.constant 0 : i32
    return %arg0, %c0_i32 : i32, i32
  }
}

module attributes {stable_mosaic.version = 14 : i64} {
  func.func @_router_body(%arg0: memref<2048x768xf32, #tpu.memory_space<vmem>>, %arg1: memref<8x768xf32, #tpu.memory_space<vmem>>, %arg2: memref<2048x8xi32, #tpu.memory_space<vmem>>, %arg3: memref<2048x8xf32, #tpu.memory_space<vmem>>, %arg4: memref<128x8xi32, #tpu.memory_space<vmem>>) attributes {dimension_semantics = [], scalar_prefetch = 0 : i64, scratch_operands = 0 : i64, tpu.core_type = #tpu.core_type<tc>} {
    %get3A = arith.constant 0 : index
    %get3A_0 = arith.constant 0 : index
    %get3A_1 = vector.load %arg0[%get3A, %get3A_0] : memref<2048x768xf32, #tpu.memory_space<vmem>>, vector<2048x768xf32>
    %get3A_2 = arith.constant 0 : index
    %get3A_3 = arith.constant 0 : index
    %get3A_4 = vector.load %arg1[%get3A_2, %get3A_3] : memref<8x768xf32, #tpu.memory_space<vmem>>, vector<8x768xf32>
    %dot_general3A = arith.constant dense<0.000000e+00> : vector<2048x8xf32>
    %dot_general3A_5 = tpu.matmul %get3A_1, %get3A_4, %dot_general3A {dimension_numbers = #tpu.dot_dimension_numbers<[1], [1], [0], [0], [0, 0, 1, 0], [], []>, transpose_lhs_hint = false} : vector<2048x768xf32>, vector<8x768xf32>, vector<2048x8xf32> -> vector<2048x8xf32>
    %iota3A = tpu.iota {dimensions = array<i32: 1>} : vector<2048x8xi32>
    %argmax3A = tpu.reduce_index %dot_general3A_5 {axis = 1 : i32, kind = #tpu.reduction_kind<arg_max>} : vector<2048x8xf32> -> vector<2048xi32>
    %broadcast_in_dim3A = vector.shape_cast %argmax3A : vector<2048xi32> to vector<2048x1xi32>
    %reduce_max3A = arith.constant dense<0xFF800000> : vector<2048xf32>
    %reduce_max3A_6 = vector.multi_reduction <maximumf>, %dot_general3A_5, %reduce_max3A [1] : vector<2048x8xf32> to vector<2048xf32>
    %broadcast_in_dim3A_7 = vector.shape_cast %reduce_max3A_6 : vector<2048xf32> to vector<2048x1xf32>
    %eq3A = vector.broadcast %broadcast_in_dim3A : vector<2048x1xi32> to vector<2048x8xi32>
    %eq3A_8 = arith.cmpi eq, %iota3A, %eq3A : vector<2048x8xi32>
    %jit3A = arith.constant 0xFF800000 : f32
    %broadcast_in_dim3A_9 = vector.broadcast %jit3A : f32 to vector<2048x8xf32>
    %select_n3A = arith.select %eq3A_8, %broadcast_in_dim3A_9, %dot_general3A_5 : vector<2048x8xi1>, vector<2048x8xf32>
    %argmax3A_10 = tpu.reduce_index %select_n3A {axis = 1 : i32, kind = #tpu.reduction_kind<arg_max>} : vector<2048x8xf32> -> vector<2048xi32>
    %broadcast_in_dim3A_11 = vector.shape_cast %argmax3A_10 : vector<2048xi32> to vector<2048x1xi32>
    %reduce_max3A_12 = arith.constant dense<0xFF800000> : vector<2048xf32>
    %reduce_max3A_13 = vector.multi_reduction <maximumf>, %select_n3A, %reduce_max3A_12 [1] : vector<2048x8xf32> to vector<2048xf32>
    %broadcast_in_dim3A_14 = vector.shape_cast %reduce_max3A_13 : vector<2048xf32> to vector<2048x1xf32>
    %sub3A = arith.subf %broadcast_in_dim3A_14, %broadcast_in_dim3A_7 : vector<2048x1xf32>
    %exp3A = math.exp %sub3A : vector<2048x1xf32>
    %add3A = arith.constant 1.000000e+00 : f32
    %add3A_15 = vector.broadcast %add3A : f32 to vector<2048x1xf32>
    %add3A_16 = arith.addf %add3A_15, %exp3A : vector<2048x1xf32>
    %div3A = arith.constant 1.000000e+00 : f32
    %div3A_17 = vector.broadcast %div3A : f32 to vector<2048x1xf32>
    %div3A_18 = arith.divf %div3A_17, %add3A_16 : vector<2048x1xf32>
    %sub3A_19 = arith.constant 1.000000e+00 : f32
    %sub3A_20 = vector.broadcast %sub3A_19 : f32 to vector<2048x1xf32>
    %sub3A_21 = arith.subf %sub3A_20, %div3A_18 : vector<2048x1xf32>
    %eq3A_22 = vector.broadcast %broadcast_in_dim3A : vector<2048x1xi32> to vector<2048x8xi32>
    %eq3A_23 = arith.cmpi eq, %iota3A, %eq3A_22 : vector<2048x8xi32>
    %eq3A_24 = vector.broadcast %broadcast_in_dim3A_11 : vector<2048x1xi32> to vector<2048x8xi32>
    %eq3A_25 = arith.cmpi eq, %iota3A, %eq3A_24 : vector<2048x8xi32>
    %or3A = arith.ori %eq3A_23, %eq3A_25 : vector<2048x8xi1>
    %convert_element_type3A = arith.extui %or3A : vector<2048x8xi1> to vector<2048x8xi32>
    %convert_element_type3A_26 = arith.sitofp %convert_element_type3A : vector<2048x8xi32> to vector<2048x8xf32>
    %convert_element_type3A_27 = arith.truncf %convert_element_type3A_26 : vector<2048x8xf32> to vector<2048x8xbf16>
    %iota3A_28 = tpu.iota {dimensions = array<i32: 0>} : vector<2048x2048xi32>
    %iota3A_29 = tpu.iota {dimensions = array<i32: 1>} : vector<2048x2048xi32>
    %lt3A = arith.cmpi slt, %iota3A_29, %iota3A_28 : vector<2048x2048xi32>
    %convert_element_type3A_30 = arith.extui %lt3A : vector<2048x2048xi1> to vector<2048x2048xi32>
    %convert_element_type3A_31 = arith.sitofp %convert_element_type3A_30 : vector<2048x2048xi32> to vector<2048x2048xf32>
    %convert_element_type3A_32 = arith.truncf %convert_element_type3A_31 : vector<2048x2048xf32> to vector<2048x2048xbf16>
    %dot_general3A_33 = arith.constant dense<0.000000e+00> : vector<2048x8xf32>
    %dot_general3A_34 = tpu.matmul %convert_element_type3A_32, %convert_element_type3A_27, %dot_general3A_33 {dimension_numbers = #tpu.dot_dimension_numbers<[1], [0], [0], [1], [0, 0, 1, 1], [], []>, transpose_lhs_hint = false} : vector<2048x2048xbf16>, vector<2048x8xbf16>, vector<2048x8xf32> -> vector<2048x8xf32>
    %convert_element_type3A_35 = arith.extf %convert_element_type3A_27 : vector<2048x8xbf16> to vector<2048x8xf32>
    %reduce_sum3A = arith.constant dense<0.000000e+00> : vector<8xf32>
    %reduce_sum3A_36 = vector.multi_reduction <add>, %convert_element_type3A_35, %reduce_sum3A [0] : vector<2048x8xf32> to vector<8xf32>
    %broadcast_in_dim3A_37 = vector.shape_cast %reduce_sum3A_36 : vector<8xf32> to vector<1x8xf32>
    %add3A_38 = arith.constant 2.550000e+02 : f32
    %add3A_39 = vector.broadcast %add3A_38 : f32 to vector<1x8xf32>
    %add3A_40 = arith.addf %broadcast_in_dim3A_37, %add3A_39 : vector<1x8xf32>
    %div3A_41 = arith.constant 2.560000e+02 : f32
    %div3A_42 = vector.broadcast %div3A_41 : f32 to vector<1x8xf32>
    %div3A_43 = arith.divf %add3A_40, %div3A_42 : vector<1x8xf32>
    %floor3A = math.floor %div3A_43 : vector<1x8xf32>
    %iota3A_44 = tpu.iota {dimensions = array<i32: 0>} : vector<8x8xi32>
    %iota3A_45 = tpu.iota {dimensions = array<i32: 1>} : vector<8x8xi32>
    %lt3A_46 = arith.cmpi slt, %iota3A_44, %iota3A_45 : vector<8x8xi32>
    %convert_element_type3A_47 = arith.extui %lt3A_46 : vector<8x8xi1> to vector<8x8xi32>
    %convert_element_type3A_48 = arith.sitofp %convert_element_type3A_47 : vector<8x8xi32> to vector<8x8xf32>
    %dot_general3A_49 = arith.constant dense<0.000000e+00> : vector<1x8xf32>
    %dot_general3A_50 = tpu.matmul %floor3A, %convert_element_type3A_48, %dot_general3A_49 {dimension_numbers = #tpu.dot_dimension_numbers<[1], [0], [0], [1], [0, 0, 1, 1], [], []>, transpose_lhs_hint = false} : vector<1x8xf32>, vector<8x8xf32>, vector<1x8xf32> -> vector<1x8xf32>
    %mul3A = arith.constant 2.560000e+02 : f32
    %mul3A_51 = vector.broadcast %mul3A : f32 to vector<1x8xf32>
    %mul3A_52 = arith.mulf %dot_general3A_50, %mul3A_51 : vector<1x8xf32>
    %eq3A_53 = vector.broadcast %broadcast_in_dim3A : vector<2048x1xi32> to vector<2048x8xi32>
    %eq3A_54 = arith.cmpi eq, %iota3A, %eq3A_53 : vector<2048x8xi32>
    %add3A_55 = vector.broadcast %mul3A_52 : vector<1x8xf32> to vector<2048x8xf32>
    %add3A_56 = arith.addf %dot_general3A_34, %add3A_55 : vector<2048x8xf32>
    %jit3A_57 = arith.constant 0.000000e+00 : f32
    %broadcast_in_dim3A_58 = vector.broadcast %jit3A_57 : f32 to vector<2048x8xf32>
    %select_n3A_59 = arith.select %eq3A_54, %add3A_56, %broadcast_in_dim3A_58 : vector<2048x8xi1>, vector<2048x8xf32>
    %reduce_sum3A_60 = arith.constant dense<0.000000e+00> : vector<2048xf32>
    %reduce_sum3A_61 = vector.multi_reduction <add>, %select_n3A_59, %reduce_sum3A_60 [1] : vector<2048x8xf32> to vector<2048xf32>
    %broadcast_in_dim3A_62 = vector.shape_cast %reduce_sum3A_61 : vector<2048xf32> to vector<2048x1xf32>
    %eq3A_63 = vector.broadcast %broadcast_in_dim3A_11 : vector<2048x1xi32> to vector<2048x8xi32>
    %eq3A_64 = arith.cmpi eq, %iota3A, %eq3A_63 : vector<2048x8xi32>
    %add3A_65 = vector.broadcast %mul3A_52 : vector<1x8xf32> to vector<2048x8xf32>
    %add3A_66 = arith.addf %dot_general3A_34, %add3A_65 : vector<2048x8xf32>
    %jit3A_67 = arith.constant 0.000000e+00 : f32
    %broadcast_in_dim3A_68 = vector.broadcast %jit3A_67 : f32 to vector<2048x8xf32>
    %select_n3A_69 = arith.select %eq3A_64, %add3A_66, %broadcast_in_dim3A_68 : vector<2048x8xi1>, vector<2048x8xf32>
    %reduce_sum3A_70 = arith.constant dense<0.000000e+00> : vector<2048xf32>
    %reduce_sum3A_71 = vector.multi_reduction <add>, %select_n3A_69, %reduce_sum3A_70 [1] : vector<2048x8xf32> to vector<2048xf32>
    %broadcast_in_dim3A_72 = vector.shape_cast %reduce_sum3A_71 : vector<2048xf32> to vector<2048x1xf32>
    %eq3A_73 = arith.constant 0 : i32
    %eq3A_74 = vector.broadcast %eq3A_73 : i32 to vector<2048x8xi32>
    %eq3A_75 = arith.cmpi eq, %iota3A, %eq3A_74 : vector<2048x8xi32>
    %eq3A_76 = arith.constant 1 : i32
    %eq3A_77 = vector.broadcast %eq3A_76 : i32 to vector<2048x8xi32>
    %eq3A_78 = arith.cmpi eq, %iota3A, %eq3A_77 : vector<2048x8xi32>
    %jit3A_79 = arith.constant 0.000000e+00 : f32
    %broadcast_in_dim3A_80 = vector.shape_cast %broadcast_in_dim3A_72 : vector<2048x1xf32> to vector<2048x1xf32>
    %broadcast_in_dim3A_81 = vector.broadcast %broadcast_in_dim3A_80 : vector<2048x1xf32> to vector<2048x8xf32>
    %broadcast_in_dim3A_82 = vector.broadcast %jit3A_79 : f32 to vector<2048x8xf32>
    %select_n3A_83 = arith.select %eq3A_78, %broadcast_in_dim3A_81, %broadcast_in_dim3A_82 : vector<2048x8xi1>, vector<2048x8xf32>
    %broadcast_in_dim3A_84 = vector.shape_cast %broadcast_in_dim3A_62 : vector<2048x1xf32> to vector<2048x1xf32>
    %broadcast_in_dim3A_85 = vector.broadcast %broadcast_in_dim3A_84 : vector<2048x1xf32> to vector<2048x8xf32>
    %select_n3A_86 = arith.select %eq3A_75, %broadcast_in_dim3A_85, %select_n3A_83 : vector<2048x8xi1>, vector<2048x8xf32>
    %convert_element_type3A_87 = arith.fptosi %select_n3A_86 : vector<2048x8xf32> to vector<2048x8xi32>
    %swap3A = arith.constant 0 : index
    %swap3A_88 = arith.constant 0 : index
    %swap3A_89 = vector.load %arg2[%swap3A, %swap3A_88] : memref<2048x8xi32, #tpu.memory_space<vmem>>, vector<2048x8xi32>
    tpu.vector_store %arg2[%swap3A, %swap3A_88], %convert_element_type3A_87 {strides = array<i32>} : memref<2048x8xi32, #tpu.memory_space<vmem>>, vector<2048x8xi32>,
    %eq3A_90 = arith.constant 0 : i32
    %eq3A_91 = vector.broadcast %eq3A_90 : i32 to vector<2048x8xi32>
    %eq3A_92 = arith.cmpi eq, %iota3A, %eq3A_91 : vector<2048x8xi32>
    %eq3A_93 = arith.constant 1 : i32
    %eq3A_94 = vector.broadcast %eq3A_93 : i32 to vector<2048x8xi32>
    %eq3A_95 = arith.cmpi eq, %iota3A, %eq3A_94 : vector<2048x8xi32>
    %jit3A_96 = arith.constant 0.000000e+00 : f32
    %broadcast_in_dim3A_97 = vector.shape_cast %sub3A_21 : vector<2048x1xf32> to vector<2048x1xf32>
    %broadcast_in_dim3A_98 = vector.broadcast %broadcast_in_dim3A_97 : vector<2048x1xf32> to vector<2048x8xf32>
    %broadcast_in_dim3A_99 = vector.broadcast %jit3A_96 : f32 to vector<2048x8xf32>
    %select_n3A_100 = arith.select %eq3A_95, %broadcast_in_dim3A_98, %broadcast_in_dim3A_99 : vector<2048x8xi1>, vector<2048x8xf32>
    %broadcast_in_dim3A_101 = vector.shape_cast %div3A_18 : vector<2048x1xf32> to vector<2048x1xf32>
    %broadcast_in_dim3A_102 = vector.broadcast %broadcast_in_dim3A_101 : vector<2048x1xf32> to vector<2048x8xf32>
    %select_n3A_103 = arith.select %eq3A_92, %broadcast_in_dim3A_102, %select_n3A_100 : vector<2048x8xi1>, vector<2048x8xf32>
    %swap3A_104 = arith.constant 0 : index
    %swap3A_105 = arith.constant 0 : index
    %swap3A_106 = vector.load %arg3[%swap3A_104, %swap3A_105] : memref<2048x8xf32, #tpu.memory_space<vmem>>, vector<2048x8xf32>
    tpu.vector_store %arg3[%swap3A_104, %swap3A_105], %select_n3A_103 {strides = array<i32>} : memref<2048x8xf32, #tpu.memory_space<vmem>>, vector<2048x8xf32>,
    %convert_element_type3A_107 = arith.fptosi %floor3A : vector<1x8xf32> to vector<1x8xi32>
    %convert_element_type3A_108 = arith.fptosi %dot_general3A_50 : vector<1x8xf32> to vector<1x8xi32>
    %iota3A_109 = tpu.iota {dimensions = array<i32: 0>} : vector<128x8xi32>
    %iota3A_110 = tpu.iota {dimensions = array<i32: 1>} : vector<128x8xi32>
    %ge3A = vector.broadcast %convert_element_type3A_108 : vector<1x8xi32> to vector<128x8xi32>
    %ge3A_111 = arith.cmpi sge, %iota3A_109, %ge3A : vector<128x8xi32>
    %add3A_112 = arith.addi %convert_element_type3A_108, %convert_element_type3A_107 : vector<1x8xi32>
    %lt3A_113 = vector.broadcast %add3A_112 : vector<1x8xi32> to vector<128x8xi32>
    %lt3A_114 = arith.cmpi slt, %iota3A_109, %lt3A_113 : vector<128x8xi32>
    %and3A = arith.andi %ge3A_111, %lt3A_114 : vector<128x8xi1>
    %add3A_115 = arith.constant 1 : i32
    %add3A_116 = vector.broadcast %add3A_115 : i32 to vector<128x8xi32>
    %add3A_117 = arith.addi %iota3A_110, %add3A_116 : vector<128x8xi32>
    %jit3A_118 = arith.constant 0 : i32
    %broadcast_in_dim3A_119 = vector.broadcast %jit3A_118 : i32 to vector<128x8xi32>
    %select_n3A_120 = arith.select %and3A, %add3A_117, %broadcast_in_dim3A_119 : vector<128x8xi1>, vector<128x8xi32>
    %reduce_sum3A_121 = arith.constant dense<0> : vector<128xi32>
    %reduce_sum3A_122 = vector.multi_reduction <add>, %select_n3A_120, %reduce_sum3A_121 [1] : vector<128x8xi32> to vector<128xi32>
    %broadcast_in_dim3A_123 = vector.shape_cast %reduce_sum3A_122 : vector<128xi32> to vector<128x1xi32>
    %sub3A_124 = arith.constant 1 : i32
    %sub3A_125 = vector.broadcast %sub3A_124 : i32 to vector<128x1xi32>
    %sub3A_126 = arith.subi %broadcast_in_dim3A_123, %sub3A_125 : vector<128x1xi32>
    %gt3A = arith.constant 0 : i32
    %gt3A_127 = vector.broadcast %gt3A : i32 to vector<1x8xi32>
    %gt3A_128 = arith.cmpi sgt, %convert_element_type3A_107, %gt3A_127 : vector<1x8xi32>
    %jit3A_129 = arith.constant 0 : i32
    %broadcast_in_dim3A_130 = vector.shape_cast %gt3A_128 : vector<1x8xi1> to vector<1x8xi1>
    %broadcast_in_dim3A_131 = vector.broadcast %broadcast_in_dim3A_130 : vector<1x8xi1> to vector<128x8xi1>
    %broadcast_in_dim3A_132 = vector.broadcast %jit3A_129 : i32 to vector<128x8xi32>
    %select_n3A_133 = arith.select %broadcast_in_dim3A_131, %iota3A_110, %broadcast_in_dim3A_132 : vector<128x8xi1>, vector<128x8xi32>
    %reduce_max3A_134 = arith.constant dense<-2147483648> : vector<128xi32>
    %reduce_max3A_135 = vector.multi_reduction <maxsi>, %select_n3A_133, %reduce_max3A_134 [1] : vector<128x8xi32> to vector<128xi32>
    %broadcast_in_dim3A_136 = vector.shape_cast %reduce_max3A_135 : vector<128xi32> to vector<128x1xi32>
    %reduce_max3A_137 = arith.constant dense<-2147483648> : vector<1xi32>
    %reduce_max3A_138 = vector.multi_reduction <maxsi>, %broadcast_in_dim3A_136, %reduce_max3A_137 [0] : vector<128x1xi32> to vector<1xi32>
    %broadcast_in_dim3A_139 = vector.shape_cast %reduce_max3A_138 : vector<1xi32> to vector<1x1xi32>
    %lt3A_140 = arith.constant 0 : i32
    %lt3A_141 = vector.broadcast %lt3A_140 : i32 to vector<128x1xi32>
    %lt3A_142 = arith.cmpi slt, %sub3A_126, %lt3A_141 : vector<128x1xi32>
    %broadcast_in_dim3A_143 = vector.shape_cast %broadcast_in_dim3A_139 : vector<1x1xi32> to vector<1x1xi32>
    %broadcast_in_dim3A_144 = vector.broadcast %broadcast_in_dim3A_143 : vector<1x1xi32> to vector<128x1xi32>
    %select_n3A_145 = arith.select %lt3A_142, %broadcast_in_dim3A_144, %sub3A_126 : vector<128x1xi1>, vector<128x1xi32>
    %reduce_sum3A_146 = arith.constant dense<0> : vector<1xi32>
    %reduce_sum3A_147 = vector.multi_reduction <add>, %convert_element_type3A_107, %reduce_sum3A_146 [1] : vector<1x8xi32> to vector<1xi32>
    %broadcast_in_dim3A_148 = vector.shape_cast %reduce_sum3A_147 : vector<1xi32> to vector<1x1xi32>
    %eq3A_149 = arith.constant 24 : i32
    %eq3A_150 = vector.broadcast %eq3A_149 : i32 to vector<128x8xi32>
    %eq3A_151 = arith.cmpi eq, %iota3A_109, %eq3A_150 : vector<128x8xi32>
    %broadcast_in_dim3A_152 = vector.shape_cast %broadcast_in_dim3A_148 : vector<1x1xi32> to vector<1x1xi32>
    %broadcast_in_dim3A_153 = vector.broadcast %broadcast_in_dim3A_152 : vector<1x1xi32> to vector<128x8xi32>
    %broadcast_in_dim3A_154 = vector.shape_cast %select_n3A_145 : vector<128x1xi32> to vector<128x1xi32>
    %broadcast_in_dim3A_155 = vector.broadcast %broadcast_in_dim3A_154 : vector<128x1xi32> to vector<128x8xi32>
    %select_n3A_156 = arith.select %eq3A_151, %broadcast_in_dim3A_153, %broadcast_in_dim3A_155 : vector<128x8xi1>, vector<128x8xi32>
    %swap3A_157 = arith.constant 0 : index
    %swap3A_158 = arith.constant 0 : index
    %swap3A_159 = vector.load %arg4[%swap3A_157, %swap3A_158] : memref<128x8xi32, #tpu.memory_space<vmem>>, vector<128x8xi32>
    tpu.vector_store %arg4[%swap3A_157, %swap3A_158], %select_n3A_156 {strides = array<i32>} : memref<128x8xi32, #tpu.memory_space<vmem>>, vector<128x8xi32>,
    return
  }
}

module attributes {stable_mosaic.version = 14 : i64} {
  func.func @_comb_body(%arg0: memref<2048x8xf32, #tpu.memory_space<vmem>>, %arg1: memref<2048x768xf32, #tpu.memory_space<vmem>>, %arg2: memref<2048x768xf32, #tpu.memory_space<vmem>>, %arg3: memref<2048x768xf32, #tpu.memory_space<vmem>>) attributes {dimension_semantics = [], scalar_prefetch = 0 : i64, scratch_operands = 0 : i64, tpu.core_type = #tpu.core_type<tc>} {
    %iota3A = tpu.iota {dimensions = array<i32: 1>} : vector<2048x8xi32>
    %get3A = arith.constant 0 : index
    %get3A_0 = arith.constant 0 : index
    %get3A_1 = vector.load %arg0[%get3A, %get3A_0] : memref<2048x8xf32, #tpu.memory_space<vmem>>, vector<2048x8xf32>
    %eq3A = arith.constant 0 : i32
    %eq3A_2 = vector.broadcast %eq3A : i32 to vector<2048x8xi32>
    %eq3A_3 = arith.cmpi eq, %iota3A, %eq3A_2 : vector<2048x8xi32>
    %jit3A = arith.constant 0.000000e+00 : f32
    %broadcast_in_dim3A = vector.broadcast %jit3A : f32 to vector<2048x8xf32>
    %select_n3A = arith.select %eq3A_3, %get3A_1, %broadcast_in_dim3A : vector<2048x8xi1>, vector<2048x8xf32>
    %reduce_sum3A = arith.constant dense<0.000000e+00> : vector<2048xf32>
    %reduce_sum3A_4 = vector.multi_reduction <add>, %select_n3A, %reduce_sum3A [1] : vector<2048x8xf32> to vector<2048xf32>
    %broadcast_in_dim3A_5 = vector.shape_cast %reduce_sum3A_4 : vector<2048xf32> to vector<2048x1xf32>
    %eq3A_6 = arith.constant 1 : i32
    %eq3A_7 = vector.broadcast %eq3A_6 : i32 to vector<2048x8xi32>
    %eq3A_8 = arith.cmpi eq, %iota3A, %eq3A_7 : vector<2048x8xi32>
    %jit3A_9 = arith.constant 0.000000e+00 : f32
    %broadcast_in_dim3A_10 = vector.broadcast %jit3A_9 : f32 to vector<2048x8xf32>
    %select_n3A_11 = arith.select %eq3A_8, %get3A_1, %broadcast_in_dim3A_10 : vector<2048x8xi1>, vector<2048x8xf32>
    %reduce_sum3A_12 = arith.constant dense<0.000000e+00> : vector<2048xf32>
    %reduce_sum3A_13 = vector.multi_reduction <add>, %select_n3A_11, %reduce_sum3A_12 [1] : vector<2048x8xf32> to vector<2048xf32>
    %broadcast_in_dim3A_14 = vector.shape_cast %reduce_sum3A_13 : vector<2048xf32> to vector<2048x1xf32>
    %get3A_15 = arith.constant 0 : index
    %get3A_16 = arith.constant 0 : index
    %get3A_17 = vector.load %arg1[%get3A_15, %get3A_16] : memref<2048x768xf32, #tpu.memory_space<vmem>>, vector<2048x768xf32>
    %mul3A = vector.broadcast %broadcast_in_dim3A_5 : vector<2048x1xf32> to vector<2048x768xf32>
    %mul3A_18 = arith.mulf %mul3A, %get3A_17 : vector<2048x768xf32>
    %get3A_19 = arith.constant 0 : index
    %get3A_20 = arith.constant 0 : index
    %get3A_21 = vector.load %arg2[%get3A_19, %get3A_20] : memref<2048x768xf32, #tpu.memory_space<vmem>>, vector<2048x768xf32>
    %mul3A_22 = vector.broadcast %broadcast_in_dim3A_14 : vector<2048x1xf32> to vector<2048x768xf32>
    %mul3A_23 = arith.mulf %mul3A_22, %get3A_21 : vector<2048x768xf32>
    %add3A = arith.addf %mul3A_18, %mul3A_23 : vector<2048x768xf32>
    %swap3A = arith.constant 0 : index
    %swap3A_24 = arith.constant 0 : index
    %swap3A_25 = vector.load %arg3[%swap3A, %swap3A_24] : memref<2048x768xf32, #tpu.memory_space<vmem>>, vector<2048x768xf32>
    tpu.vector_store %arg3[%swap3A, %swap3A_24], %add3A {strides = array<i32>} : memref<2048x768xf32, #tpu.memory_space<vmem>>, vector<2048x768xf32>,
    return
  }
}

</mosaic_0001>

<sc_bundles>
// kernel: kernel.10.cloned.1.call-start
scs
__scs_entry_jumppad:
0x0: {  	(pc) =	sbr.rel $0x88, $3  }
0x1: {  	(tag) =	ssettag $0x0;
	lr =	simm.s32 $0x1  }
0x2: {  	[smem:$0x3F9C] =	sst lr;
	_ =	strace $0xD0000000  }
0x3: {  	_ = 	snop  }
0x4: {  	_ = 	snop  }
0x5: {  	_ = 	snop  }
0x6: {  	_ = 	snop  }
0x7: {  	_ = 	snop  }
__scs_overlays_trampoline_lowered:
0x8: {  	[smem:$0x3FAB] =	sst s0  }
0x9: {  	[smem:$0x3FAC] =	sst s1  }
0xa: {  	[smem:$0x3FAD] =	sst s2  }
0xb: {  	[smem:$0x3FAE] =	sst s3  }
0xc: {  	[smem:$0x3FAF] =	sst s4  }
0xd: {  	[smem:$0x3FB0] =	sst s5  }
0xe: {  	[smem:$0x3FB1] =	sst s6  }
0xf: {  	[smem:$0x3FB2] =	sst s7  }
0x10: {  	[smem:$0x3FB3] =	sst s8  }
0x11: {  	[smem:$0x3FB4] =	sst s9;
	s0 =	simm.s32 @!p0 $0x0  }
0x12: {  	s1 =	sld [smem:$0x3F9A];
	s0 =	simm.s32 @p0 $0x1  }
0x13: {  	[smem:$0x3FB5] =	sst s0;
	s0 =	simm.s32 @!p1 $0x0  }
0x14: {  	s2 =	sld [smem:$0x3F99];
	s0 =	simm.s32 @p1 $0x1  }
0x15: {  	[smem:$0x3FB6] =	sst s0;
	s0 =	simm.s32 @!p2 $0x0  }
0x16: {  	s3 =	sld [smem:$0x3FDB];
	s0 =	simm.s32 @p2 $0x1  }
0x17: {  	s4 =	simm.s32 $0x1BF5;
	[smem:$0x3FB8] =	sst s0  }
0x18: {  	s0 =	sld [smem:$0x3F9B];
	_ =	swait.ge [sflag:s4], $0x0  }
0x19: {  	s7 =	sld [smem:$0x3F9C]  }
0x1a: {  	s8 =	sadd.s32 $0xFFFFE003, lr  }
0x1b: {  	s9 =	sadd.s32 $0xFFFFFEF7, lr;
	s5 =	simm.s32 $0xFFFFFFFF;
	p2 =	slt.u32 s8, $0xFFFFF086  }
0x1c: {  	p1 =	slt.u32 s9, $0xF7A;
	s5 =	simm.s32 @!p2 $0x0  }
0x1d: {  	s5 =	simm.s32 @p1 $0x1;
	p0 =	seq.s32 s7, s2  }
0x1e: {  	s7 =	smul.u32 @!p0 $0xF7A, s2;
	p2 =	seq.s32 @!p0 s5, $0x0  }
0x1f: {  	s9 =	smul.u32 $0xF7A, s1;
	s8 =	simm.s32 @!p0 $0x1BF5;
	p2 =	por !p2, p0  }
0x20: {  	[sflag:s8] =	ssyncset.s32 @!p0 $0xFFFFF086;
	s6 =	sadd.s32 @!p0 s3, s7;
	s7 =	simm.s32 @!p0 $0x108  }
0x21: {  	s3 =	sadd.s32 s3, s9;
	s6 =	sadd.s32 @!p0 $0x88, s6;
	s7 =	simm.s32 @p2 $0x1082  }
0x22: {  	[simem:s7], [sflag:s8] =	dma.local @!p0 [hbm:s6], $0xF7A  }
0x23: {  	s9 =	sor.u32 $0xD0000000, s2;
	s6 =	simm.s32 $0x108;
	_ =	swait.ge @!p0 [sflag:s8], $0x0  }
0x24: {  	s3 =	sadd.s32 $0x88, s3;
	s6 =	simm.s32 @!p1 $0x1082;
	[sflag:s4] =	ssyncset.s32 $0xFFFFF086  }
0x25: {  	[simem:s6], [sflag:s4] =	dma.local [hbm:s3], $0xF7A  }
0x26: {  	[smem:$0x3F9C] =	sst s1;
	(tag) =	ssettag s2;
	_ =	strace s9  }
0x27: {  	s1 =	sld [smem:$0x3FAC]  }
0x28: {  	s2 =	sld [smem:$0x3FAD]  }
0x29: {  	s4 =	sld [smem:$0x3FAF]  }
0x2a: {  	p0 =	seq.s32 s5, $0x0;
	s5 =	sld [smem:$0x3FB0]  }
0x2b: {  	s6 =	sld [smem:$0x3FB1]  }
0x2c: {  	s7 =	sld [smem:$0x3FB2]  }
0x2d: {  	s3 =	simm.s32 $0x108;
	s8 =	sld [smem:$0x3FB3]  }
0x2e: {  	s3 =	simm.s32 @!p0 $0x1082;
	s9 =	sld [smem:$0x3FB4]  }
0x2f: {  	lr =	sadd.s32 s0, s3;
	s0 =	sld [smem:$0x3FAB]  }
0x30: {  	s3 =	sld [smem:$0x3FAE]  }
0x31: {  	[smem:$0x3FB7] =	sst s10  }
0x32: {  	s10 =	sld [smem:$0x3FB5];
	_ =	sdelay $0x3  }
0x33: {  	p0 =	seq.s32 s10, $0x1;
	s10 =	sld [smem:$0x3FB7];
	_ =	sdelay $0x3  }
0x34: {  	[smem:$0x3FB7] =	sst s10  }
0x35: {  	s10 =	sld [smem:$0x3FB6];
	_ =	sdelay $0x3  }
0x36: {  	p1 =	seq.s32 s10, $0x1;
	s10 =	sld [smem:$0x3FB7];
	_ =	sdelay $0x3  }
0x37: {  	[smem:$0x3FB7] =	sst s10  }
0x38: {  	s10 =	sld [smem:$0x3FB8]  }
0x39: {  	_ = 	snop;
	(pc) =	sbr.ind lr, $3  }
0x3a: {  	_ = 	snop  }
0x3b: {  	_ = 	snop  }
0x3c: {  	p2 =	seq.s32 s10, $0x1;
	s10 =	sld [smem:$0x3FB7]  }
0x3d: {  	_ =	shalt  }
0x3e: {  	_ =	shalt  }
0x3f: {  	_ =	shalt  }
0x40: {  	_ =	shalt  }
0x41: {  	_ =	shalt  }
0x42: {  	_ =	shalt  }
0x43: {  	_ =	shalt  }
0x44: {  	_ =	shalt  }
0x45: {  	_ =	shalt  }
0x46: {  	_ =	shalt  }
0x47: {  	_ =	shalt  }
0x48: {  	_ =	shalt  }
0x49: {  	_ =	shalt  }
0x4a: {  	_ =	shalt  }
0x4b: {  	_ =	shalt  }
0x4c: {  	_ =	shalt  }
0x4d: {  	_ =	shalt  }
0x4e: {  	_ =	shalt  }
0x4f: {  	_ =	shalt  }
0x50: {  	_ =	shalt  }
0x51: {  	_ =	shalt  }
0x52: {  	_ =	shalt  }
0x53: {  	_ =	shalt  }
0x54: {  	_ =	shalt  }
0x55: {  	_ =	shalt  }
0x56: {  	_ =	shalt  }
0x57: {  	_ =	shalt  }
0x58: {  	_ =	shalt  }
0x59: {  	_ =	shalt  }
0x5a: {  	_ =	shalt  }
0x5b: {  	_ =	shalt  }
0x5c: {  	_ =	shalt  }
0x5d: {  	_ =	shalt  }
0x5e: {  	_ =	shalt  }
0x5f: {  	_ =	shalt  }
0x60: {  	_ =	shalt  }
0x61: {  	_ =	shalt  }
0x62: {  	_ =	shalt  }
0x63: {  	_ =	shalt  }
0x64: {  	_ =	shalt  }
0x65: {  	_ =	shalt  }
0x66: {  	_ =	shalt  }
0x67: {  	_ =	shalt  }
0x68: {  	_ =	shalt  }
0x69: {  	_ =	shalt  }
0x6a: {  	_ =	shalt  }
0x6b: {  	_ =	shalt  }
0x6c: {  	_ =	shalt  }
0x6d: {  	_ =	shalt  }
0x6e: {  	_ =	shalt  }
0x6f: {  	_ =	shalt  }
0x70: {  	_ =	shalt  }
0x71: {  	_ =	shalt  }
0x72: {  	_ =	shalt  }
0x73: {  	_ =	shalt  }
0x74: {  	_ =	shalt  }
0x75: {  	_ =	shalt  }
0x76: {  	_ =	shalt  }
0x77: {  	_ =	shalt  }
0x78: {  	_ =	shalt  }
0x79: {  	_ =	shalt  }
0x7a: {  	_ =	shalt  }
0x7b: {  	_ =	shalt  }
0x7c: {  	_ =	shalt  }
0x7d: {  	_ =	shalt  }
0x7e: {  	_ =	shalt  }
0x7f: {  	_ =	shalt  }
0x80: {  	_ =	shalt  }
0x81: {  	_ =	shalt  }
0x82: {  	_ =	shalt  }
0x83: {  	_ =	shalt  }
0x84: {  	_ =	shalt  }
0x85: {  	_ =	shalt  }
0x86: {  	_ =	shalt  }
0x87: {  	_ =	shalt  }
.Lfunc_end0:
.L_simem_size_0:
called_computation.1_lowered:
.L_overlay_start_0:
0x88: {  	s2 =	sld [smem:$0x3FD9]  }
0x89: {  	s3 =	sld [smem:$0x3FFE];
	_ =	sdelay $0x1  }
0x8a: {  	s1 =	srdreg.scid  }
0x8b: {  	s0 =	sand.u32 $0x1, s1  }
0x8c: {  	s17 =	sshll.u32 s0, $0xA;
	s2 =	sadd.s32 s3, s2  }
0x8d: {  	s2 =	sadd.s32 s2, s17  }
0x8e: {  	[smem:$0x3FC3] =	sst s2  }
0x8f: {  	_ = 	snop  }
0x90: {  	s2 =	sld [smem:$0x3FD0];
	(tm) =	ssettm $0x1  }
0x91: {  	s18 =	sld [smem:$0x3FFB];
	_ =	sdelay $0x3  }
0x92: {  	_ =	strace s18  }
0x93: {  	s3 =	sld [smem:$0x3FFC];
	_ =	sdelay $0x3  }
0x94: {  	_ =	strace s3  }
0x95: {  	s3 =	sld [smem:$0x3FFD];
	_ =	sdelay $0x3  }
0x96: {  	_ =	strace s3  }
0x97: {  	_ =	strace $0x8FFFFFFF  }
0x98: {  	s19 =	sld [smem:$0x3FDB];
	_ =	sdelay $0x1  }
0x99: {  	s4 =	simm.s32 $_scs_section_size  }
0x9a: {  	s5 =	simm.s32 $_size__tile_overlayer_lowered;
	s6 =	simm.s32 $_tile_overlayer_lowered  }
0x9b: {  	s22 =	simm.s32 $0x1BFF;
	s21 =	sshll.u32 s6, $0x1;
	s3 =	sadd.s32 s4, s19  }
0x9c: {  	s7 =	simm.s32 $0x0;
	s20 =	sshll.u32 s5, $0x1;
	s5 =	sadd.s32 s21, s3  }
0x9d: {  	[timem:s7], [sflag:s22] =	dma.local [hbm:s5], s20  }
0x9e: {  	_ =	swait.ge [sflag:s22], s20  }
0x9f: {  	s4 =	ssub.s32 $0x0, s20;
	[sflag:s22] =	ssyncset.done $0x0  }
0xa0: {  	[sflag:s22] =	ssyncadd.s32 s4;
	_ =	sdelay $0x1  }
0xa1: {  	s23 =	simm.s32 $0x1B8B  }
0xa2: {  	_ =	swait.ge [sflag:s23], $0x1  }
0xa3: {  	[sflag:s23] =	ssyncset.done $0x0  }
0xa4: {  	s25 =	simm.s32 $0x1B8E;
	s24 =	sld [smem:$0x3FFE];
	[sflag:s23] =	ssyncadd.s32 $0xFFFFFFFF  }
0xa5: {  	s26 =	simm.s32 $execute0_lowered;
	[smem:$0x3FD2] =	sst s25  }
0xa6: {  	s5 =	sshll.u32 s26, $0x1;
	_ =	strace $0x80000049;
	[dreg:$0x1] =	wrdreg $0xFFFFFFFF  }
0xa7: {  	s28 =	simm.s32 $_size_execute0_lowered;
	s3 =	sadd.s32 s3, s5;
	[dreg:$0x0] =	wrdreg $0x0  }
0xa8: {  	s5 =	sshll.u32 s28, $0x1;
	[dreg:$0x2] =	wrdreg s3  }
0xa9: {  	[dreg:$0x3] =	wrdreg s5  }
0xaa: {  	[dreg:$0x4] =	wrdreg $0xC0  }
0xab: {  	_ =	task [dreg:s7], $0x5FFFF  }
0xac: {  	[dreg:$0x1] =	wrdreg $0xFFFFFFFF  }
0xad: {  	[dreg:$0x0] =	wrdreg $0x60  }
0xae: {  	[dreg:$0x2] =	wrdreg s24  }
0xaf: {  	[dreg:$0x3] =	wrdreg s2  }
0xb0: {  	[dreg:$0x4] =	wrdreg $0x9  }
0xb1: {  	_ =	task.clear_ibuf [dreg:s7], $0x5FFFF;
	_ =	strace $0x90000049  }
0xb2: {  	s29 =	simm.s32 $0x9;
	_ =	strace $0x8000004B  }
0xb3: {  	_ =	swait.ge [sflag:s29], $0x1  }
0xb4: {  	[sflag:s29] =	ssyncadd.s32 $0xFFFFFFFF  }
0xb5: {  	_ =	strace $0x9000004B  }
0xb6: {  	_ =	sfence  }
0xb7: {  	s30 =	sld [smem:$0x0];
	_ =	sdelay $0x2  }
0xb8: {  	s31 =	sshll.u32 s1, $0xD;
	s1 =	sshrl.u32 s1, $0x2  }
0xb9: {  	s3 =	sand.u32 $0x4000, s31;
	s1 =	sadd.s32 s1, s30  }
0xba: {  	s0 =	sor.u32 s3, s0;
	s1 =	sshll.u32 s1, $0x11  }
0xbb: {  	s0 =	sor.u32 s1, s0  }
0xbc: {  	s0 =	sadd.s32 $0x8F2B, s0  }
0xbd: {  	[sflag:s0] =	ssyncadd.remote.s32 $0x1  }
0xbe: {  	_ =	sfence.sel $0xFFFF  }
0xbf: {  	[dreg:$0x0] =	wrdreg $0xFFFFFFFF;
	(pc) =	sbr.abs _section_cstart, $3  }
0xc0: {  	[dreg:$0x1] =	wrdreg $0xFFFFFFFF  }
0xc1: {  	_ =	task.clear_ibuf [dreg:s7], $0x2FFFF;
	_ =	strace $0x9FFFFFFF  }
0xc2: {  	(tm) =	ssettm $0x7FFFFFFF  }
0xc3: {  	_ =	shalt  }
tec
execute0_lowered:
.L_overlay_start_1:
0x0: {  	(tag) =	ssettag $0x1  }
0x1: {  	s2 =	srdreg.scid;
	s1 =	rddreg [dreg:$0x0]  }
0x2: {  	s3 =	rddreg [dreg:$0x1];
	s4 =	sand.u32 $0x1, s2;
	s2 =	simm.s32 $0x0  }
0x3: {  	s20 =	simm.s32 $0x80;
	[smem:$0x7FF] =	sst s2  }
0x4: {  	s21 =	simm.s32 $0x900;
	_ =	strace $0x8000004A;
	[dreg:$0x7] =	wrdreg s20  }
0x5: {  	s22 =	simm.s32 $0x1100;
	[dreg:$0x8] =	wrdreg s21  }
0x6: {  	s23 =	simm.s32 $0x1900;
	[dreg:$0x9] =	wrdreg s22  }
0x7: {  	s24 =	simm.s32 $0x2100;
	[dreg:$0xa] =	wrdreg s23  }
0x8: {  	s25 =	simm.s32 $0x2900;
	[dreg:$0xb] =	wrdreg s24  }
0x9: {  	s0 =	stileid.u32;
	s26 =	simm.s32 $0x3100;
	[dreg:$0xc] =	wrdreg s25  }
0xa: {  	s5 =	sshll.u32 s0, $0x4;
	s0 =	simm.s32 $0x3900;
	[dreg:$0xd] =	wrdreg s26  }
0xb: {  	s8 =	simm.s32 $0x5900;
	[dreg:$0xe] =	wrdreg s0  }
0xc: {  	s9 =	simm.s32 $0x6100;
	[dreg:$0x12] =	wrdreg s8  }
0xd: {  	s10 =	simm.s32 $0x6900;
	[dreg:$0x13] =	wrdreg s9  }
0xe: {  	s11 =	simm.s32 $0x7100;
	s12 =	simm.s32 $0x7900;
	[dreg:$0x14] =	wrdreg s10  }
0xf: {  	s13 =	simm.s32 $0x8100;
	s14 =	simm.s32 $0x8900;
	[dreg:$0x15] =	wrdreg s11  }
0x10: {  	s15 =	simm.s32 $0x9100;
	s16 =	simm.s32 $0x9900;
	[dreg:$0x16] =	wrdreg s12  }
0x11: {  	s17 =	simm.s32 $0xA100;
	s28 =	simm.s32 $0x17900;
	[dreg:$0x17] =	wrdreg s13  }
0x12: {  	s29 =	simm.s32 $0x1;
	s30 =	simm.s32 $0x2;
	[dreg:$0x18] =	wrdreg s14  }
0x13: {  	s31 =	simm.s32 $0x3;
	s6 =	sshll.u32 s4, $0x3;
	[dreg:$0x19] =	wrdreg s15  }
0x14: {  	s4 =	ssub.s32 $0x2, s4;
	s5 =	sor.u32 s6, s5;
	[dreg:$0x1a] =	wrdreg s16  }
0x15: {  	[dreg:$0x1b] =	wrdreg s17;
	s20 =	simm.s32 $0xB100;
	s21 =	simm.s32 $0xB900  }
0x16: {  	s22 =	simm.s32 $0xC900;
	s23 =	simm.s32 $0xD100;
	s24 =	simm.s32 $0xD900  }
0x17: {  	s25 =	simm.s32 $0xE100;
	s8 =	simm.s32 $0x100;
	[dreg:$0x1d] =	wrdreg s20  }
0x18: {  	s26 =	simm.s32 $0xE900;
	s9 =	simm.s32 $0xC100;
	[dreg:$0x1e] =	wrdreg s21  }
0x19: {  	s11 =	simm.s32 $0xF900;
	s12 =	simm.s32 $0x10100;
	[dreg:$0x1f] =	wrdreg s22  }
0x1a: {  	s13 =	simm.s32 $0x10900;
	s14 =	simm.s32 $0x11100;
	[smem:$0x7FA] =	sst s23  }
0x1b: {  	s15 =	simm.s32 $0x11900;
	s16 =	simm.s32 $0x12100;
	[smem:$0x7FB] =	sst s24  }
0x1c: {  	s17 =	simm.s32 $0x12900;
	s6 =	sadd.s32 s5, s1;
	[smem:$0x7FC] =	sst s25  }
0x1d: {  	s5 =	smul.u32 $0x300, s5;
	[smem:$0x7FD] =	sst s26;
	s20 =	simm.s32 $0x14100  }
0x1e: {  	s21 =	simm.s32 $0x14900;
	s22 =	simm.s32 $0x15100;
	s7 =	sadd.s32 $0x1E00, s6  }
0x1f: {  	s23 =	simm.s32 $0x15900;
	s6 =	sadd.s32 $0x1C00, s6;
	[dreg:$0x3] =	wrdreg s7  }
0x20: {  	s24 =	simm.s32 $0x16100;
	[dreg:$0x4] =	wrdreg s6;
	s3 =	sadd.s32 s3, s5  }
0x21: {  	s18 =	sadd.s32 s5, s1;
	s5 =	simm.s32 $0x4100;
	[dreg:$0x5] =	wrdreg s3  }
0x22: {  	s25 =	simm.s32 $0x16900;
	s6 =	simm.s32 $0x4900;
	[dreg:$0xf] =	wrdreg s5  }
0x23: {  	s26 =	simm.s32 $0x17100;
	s7 =	simm.s32 $0x5100;
	[dreg:$0x10] =	wrdreg s6  }
0x24: {  	s19 =	sadd.s32 $0x2000, s18;
	[dreg:$0x11] =	wrdreg s7;
	s3 =	sadd.s32 $0xDA000, s1  }
0x25: {  	s18 =	simm.s32 $0xA900;
	s5 =	sadd.s32 $0xDA200, s1;
	[dreg:$0x6] =	wrdreg s19  }
0x26: {  	v2 =	vlaneseq.u32;
	s7 =	simm.s32 $0x5;
	s19 =	sshrl.u32 s4, $0x1;
	[dreg:$0x1c] =	wrdreg s18  }
0x27: {  	vm0 =	vmmov $0xffff;
	v1 =	vshrl.u32 v2, $0x3;
	s18 =	simm.s32 $0x13100;
	s6 =	ssub.s32 s4, s19;
	s4 =	sadd.s32 $0xDA100, s1  }
0x28: {  	v0 =	vand.u32 $0x7, v2;
	v2 =	vor.u32 $0x8, v2;
	v1 =	vmul.u32 $0x8, v1;
	s19 =	simm.s32 $0x13900;
	s1 =	simm.s32 $0x4;
	s6 =	smax.u32 s6, $0x1  }
.LBB2_1:
0x29: {  	s0 =	rddreg [dreg:$0x3]  }
0x2a: {  	[tilespmem:s2], [sflag:$0x5] =	stream.linear.gather [hbm4b:s0+s2], $0x40, $0x38;
	[tilespmem:$0x18100] =	vst v63  }
0x2b: {  	_ =	swait.ge [sflag:s7], $0x40  }
0x2c: {  	s0 =	rddreg [dreg:$0x4];
	[sflag:s7] =	ssyncset.done $0x0  }
0x2d: {  	s10 =	rddreg [dreg:$0x7];
	[sflag:s7] =	ssyncadd.s32 $0xFFFFFFC0  }
0x2e: {  	[tilespmem:s10], [sflag:$0x5] =	stream.linear.gather [hbm4b:s0+s2], $0x40, $0x38;
	[tilespmem:$0x18100] =	vst v63  }
0x2f: {  	_ =	swait.ge [sflag:s7], $0x40  }
0x30: {  	[sflag:s7] =	ssyncset.done $0x0  }
0x31: {  	[sflag:s7] =	ssyncadd.s32 $0xFFFFFFC0  }
0x32: {  	v3 =	vld [tilespmem:$0x0];
	_ =	sdelay $0x4  }
0x33: {  	v4 =	vshrl.u32 v3, $0x3  }
0x34: {  	v4 =	vmul.u32 $0x30, v4  }
0x35: {  	v3 =	vand.u32 $0x7, v3  }
0x36: {  	v3 =	vor.u32 v3, v4  }
0x37: {  	v4 =	vperm.xlane v3, v0;
	_ =	sdelay $0x1  }
0x38: {  	v4 =	vadd.s32 v1, v4;
	_ =	sdelay $0x3  }
0x39: {  	v3 =	vperm.xlane v3, v2  }
0x3a: {  	[tilespmem:s8], [sflag:$0x1] =	stream.indirect_vreg.gather [hbm4b:s3+s2], $0x80, v4, vm0, $0xb8;
	[tilespmem:$0x18100] =	vst v63  }
0x3b: {  	s0 =	rddreg [dreg:$0x8];
	v3 =	vadd.s32 v1, v3  }
0x3c: {  	[tilespmem:s0], [sflag:$0x1] =	stream.indirect_vreg.gather [hbm4b:s4+s2], $0x80, v4, vm0, $0xb8;
	[tilespmem:$0x18100] =	vst v63  }
0x3d: {  	s10 =	rddreg [dreg:$0x9]  }
0x3e: {  	[tilespmem:s10], [sflag:$0x1] =	stream.indirect_vreg.gather [hbm4b:s5+s2], $0x80, v4, vm0, $0xb8;
	[tilespmem:$0x18100] =	vst v63  }
0x3f: {  	s0 =	rddreg [dreg:$0xa]  }
0x40: {  	[tilespmem:s0], [sflag:$0x1] =	stream.indirect_vreg.gather [hbm4b:s3+s2], $0x80, v3, vm0, $0xb8;
	[tilespmem:$0x18100] =	vst v63  }
0x41: {  	s10 =	rddreg [dreg:$0xb]  }
0x42: {  	[tilespmem:s10], [sflag:$0x1] =	stream.indirect_vreg.gather [hbm4b:s4+s2], $0x80, v3, vm0, $0xb8;
	[tilespmem:$0x18100] =	vst v63  }
0x43: {  	s0 =	rddreg [dreg:$0xc]  }
0x44: {  	[tilespmem:s0], [sflag:$0x1] =	stream.indirect_vreg.gather [hbm4b:s5+s2], $0x80, v3, vm0, $0xb8;
	[tilespmem:$0x18100] =	vst v63  }
0x45: {  	v3 =	vld [tilespmem:$0x10];
	_ =	sdelay $0x4  }
0x46: {  	v57 =	vshrl.u32 v3, $0x3  }
0x47: {  	v4 =	vmul.u32 $0x30, v57  }
0x48: {  	v3 =	vand.u32 $0x7, v3  }
0x49: {  	v3 =	vor.u32 v3, v4  }
0x4a: {  	v4 =	vperm.xlane v3, v0;
	_ =	sdelay $0x1  }
0x4b: {  	v4 =	vadd.s32 v1, v4;
	_ =	sdelay $0x3  }
0x4c: {  	s0 =	rddreg [dreg:$0xd];
	v3 =	vperm.xlane v3, v2  }
0x4d: {  	[tilespmem:s0], [sflag:$0x1] =	stream.indirect_vreg.gather [hbm4b:s3+s2], $0x80, v4, vm0, $0xb8;
	[tilespmem:$0x18100] =	vst v63  }
0x4e: {  	s10 =	rddreg [dreg:$0xe];
	v3 =	vadd.s32 v1, v3  }
0x4f: {  	[tilespmem:s10], [sflag:$0x1] =	stream.indirect_vreg.gather [hbm4b:s4+s2], $0x80, v4, vm0, $0xb8;
	[tilespmem:$0x18100] =	vst v63  }
0x50: {  	s0 =	rddreg [dreg:$0xf]  }
0x51: {  	[tilespmem:s0], [sflag:$0x1] =	stream.indirect_vreg.gather [hbm4b:s5+s2], $0x80, v4, vm0, $0xb8;
	[tilespmem:$0x18100] =	vst v63  }
0x52: {  	s10 =	rddreg [dreg:$0x10]  }
0x53: {  	[tilespmem:s10], [sflag:$0x1] =	stream.indirect_vreg.gather [hbm4b:s3+s2], $0x80, v3, vm0, $0xb8;
	[tilespmem:$0x18100] =	vst v63  }
0x54: {  	s0 =	rddreg [dreg:$0x11]  }
0x55: {  	[tilespmem:s0], [sflag:$0x1] =	stream.indirect_vreg.gather [hbm4b:s4+s2], $0x80, v3, vm0, $0xb8;
	[tilespmem:$0x18100] =	vst v63  }
0x56: {  	s10 =	rddreg [dreg:$0x12]  }
0x57: {  	[tilespmem:s10], [sflag:$0x1] =	stream.indirect_vreg.gather [hbm4b:s5+s2], $0x80, v3, vm0, $0xb8;
	[tilespmem:$0x18100] =	vst v63  }
0x58: {  	v3 =	vld [tilespmem:$0x20];
	_ =	sdelay $0x4  }
0x59: {  	v58 =	vshrl.u32 v3, $0x3  }
0x5a: {  	v4 =	vmul.u32 $0x30, v58  }
0x5b: {  	v3 =	vand.u32 $0x7, v3  }
0x5c: {  	v3 =	vor.u32 v3, v4  }
0x5d: {  	v4 =	vperm.xlane v3, v0;
	_ =	sdelay $0x1  }
0x5e: {  	v4 =	vadd.s32 v1, v4;
	_ =	sdelay $0x3  }
0x5f: {  	s0 =	rddreg [dreg:$0x13];
	v3 =	vperm.xlane v3, v2  }
0x60: {  	[tilespmem:s0], [sflag:$0x1] =	stream.indirect_vreg.gather [hbm4b:s3+s2], $0x80, v4, vm0, $0xb8;
	[tilespmem:$0x18100] =	vst v63  }
0x61: {  	s10 =	rddreg [dreg:$0x14];
	v3 =	vadd.s32 v1, v3  }
0x62: {  	[tilespmem:s10], [sflag:$0x1] =	stream.indirect_vreg.gather [hbm4b:s4+s2], $0x80, v4, vm0, $0xb8;
	[tilespmem:$0x18100] =	vst v63  }
0x63: {  	s0 =	rddreg [dreg:$0x15]  }
0x64: {  	[tilespmem:s0], [sflag:$0x1] =	stream.indirect_vreg.gather [hbm4b:s5+s2], $0x80, v4, vm0, $0xb8;
	[tilespmem:$0x18100] =	vst v63  }
0x65: {  	s10 =	rddreg [dreg:$0x16]  }
0x66: {  	[tilespmem:s10], [sflag:$0x1] =	stream.indirect_vreg.gather [hbm4b:s3+s2], $0x80, v3, vm0, $0xb8;
	[tilespmem:$0x18100] =	vst v63  }
0x67: {  	s0 =	rddreg [dreg:$0x17]  }
0x68: {  	[tilespmem:s0], [sflag:$0x1] =	stream.indirect_vreg.gather [hbm4b:s4+s2], $0x80, v3, vm0, $0xb8;
	[tilespmem:$0x18100] =	vst v63  }
0x69: {  	s10 =	rddreg [dreg:$0x18]  }
0x6a: {  	[tilespmem:s10], [sflag:$0x1] =	stream.indirect_vreg.gather [hbm4b:s5+s2], $0x80, v3, vm0, $0xb8;
	[tilespmem:$0x18100] =	vst v63  }
0x6b: {  	v3 =	vld [tilespmem:$0x30];
	_ =	sdelay $0x4  }
0x6c: {  	v59 =	vshrl.u32 v3, $0x3  }
0x6d: {  	v4 =	vmul.u32 $0x30, v59  }
0x6e: {  	v3 =	vand.u32 $0x7, v3  }
0x6f: {  	v3 =	vor.u32 v3, v4  }
0x70: {  	v4 =	vperm.xlane v3, v0;
	_ =	sdelay $0x1  }
0x71: {  	v4 =	vadd.s32 v1, v4;
	_ =	sdelay $0x3  }
0x72: {  	s0 =	rddreg [dreg:$0x19];
	v3 =	vperm.xlane v3, v2  }
0x73: {  	[tilespmem:s0], [sflag:$0x1] =	stream.indirect_vreg.gather [hbm4b:s3+s2], $0x80, v4, vm0, $0xb8;
	[tilespmem:$0x18100] =	vst v63  }
0x74: {  	s10 =	rddreg [dreg:$0x1a];
	v3 =	vadd.s32 v1, v3  }
0x75: {  	[tilespmem:s10], [sflag:$0x1] =	stream.indirect_vreg.gather [hbm4b:s4+s2], $0x80, v4, vm0, $0xb8;
	[tilespmem:$0x18100] =	vst v63  }
0x76: {  	s0 =	rddreg [dreg:$0x1b]  }
0x77: {  	[tilespmem:s0], [sflag:$0x1] =	stream.indirect_vreg.gather [hbm4b:s5+s2], $0x80, v4, vm0, $0xb8;
	[tilespmem:$0x18100] =	vst v63  }
0x78: {  	s10 =	rddreg [dreg:$0x1c]  }
0x79: {  	[tilespmem:s10], [sflag:$0x1] =	stream.indirect_vreg.gather [hbm4b:s3+s2], $0x80, v3, vm0, $0xb8;
	[tilespmem:$0x18100] =	vst v63  }
0x7a: {  	s0 =	rddreg [dreg:$0x1d]  }
0x7b: {  	[tilespmem:s0], [sflag:$0x1] =	stream.indirect_vreg.gather [hbm4b:s4+s2], $0x80, v3, vm0, $0xb8;
	[tilespmem:$0x18100] =	vst v63  }
0x7c: {  	s10 =	rddreg [dreg:$0x1e]  }
0x7d: {  	[tilespmem:s10], [sflag:$0x1] =	stream.indirect_vreg.gather [hbm4b:s5+s2], $0x80, v3, vm0, $0xb8;
	[tilespmem:$0x18100] =	vst v63  }
0x7e: {  	v3 =	vld [tilespmem:$0x80];
	_ =	sdelay $0x4  }
0x7f: {  	v60 =	vshrl.u32 v3, $0x3  }
0x80: {  	v4 =	vmul.u32 $0x30, v60  }
0x81: {  	v3 =	vand.u32 $0x7, v3  }
0x82: {  	v3 =	vor.u32 v3, v4  }
0x83: {  	v4 =	vperm.xlane v3, v0;
	_ =	sdelay $0x1  }
0x84: {  	v4 =	vadd.s32 v1, v4;
	_ =	sdelay $0x3  }
0x85: {  	s0 =	rddreg [dreg:$0x1f];
	v3 =	vperm.xlane v3, v2  }
0x86: {  	[tilespmem:s9], [sflag:$0x2] =	stream.indirect_vreg.gather [hbm4b:s3+s2], $0x80, v4, vm0, $0xb8;
	[tilespmem:$0x18100] =	vst v63  }
0x87: {  	s10 =	sld [smem:$0x7FA];
	v3 =	vadd.s32 v1, v3  }
0x88: {  	[tilespmem:s0], [sflag:$0x2] =	stream.indirect_vreg.gather [hbm4b:s4+s2], $0x80, v4, vm0, $0xb8;
	[tilespmem:$0x18100] =	vst v63  }
0x89: {  	s0 =	sld [smem:$0x7FB]  }
0x8a: {  	[tilespmem:s10], [sflag:$0x2] =	stream.indirect_vreg.gather [hbm4b:s5+s2], $0x80, v4, vm0, $0xb8;
	[tilespmem:$0x18100] =	vst v63  }
0x8b: {  	s10 =	sld [smem:$0x7FC]  }
0x8c: {  	[tilespmem:s0], [sflag:$0x2] =	stream.indirect_vreg.gather [hbm4b:s3+s2], $0x80, v3, vm0, $0xb8;
	[tilespmem:$0x18100] =	vst v63  }
0x8d: {  	s0 =	sld [smem:$0x7FD]  }
0x8e: {  	[tilespmem:s10], [sflag:$0x2] =	stream.indirect_vreg.gather [hbm4b:s4+s2], $0x80, v3, vm0, $0xb8;
	[tilespmem:$0x18100] =	vst v63  }
0x8f: {  	_ = 	snop  }
0x90: {  	[tilespmem:s0], [sflag:$0x2] =	stream.indirect_vreg.gather [hbm4b:s5+s2], $0x80, v3, vm0, $0xb8;
	[tilespmem:$0x18100] =	vst v63  }
0x91: {  	v3 =	vld [tilespmem:$0x90];
	_ =	sdelay $0x4  }
0x92: {  	v61 =	vshrl.u32 v3, $0x3  }
0x93: {  	v4 =	vmul.u32 $0x30, v61  }
0x94: {  	v3 =	vand.u32 $0x7, v3  }
0x95: {  	v3 =	vor.u32 v3, v4  }
0x96: {  	v4 =	vperm.xlane v3, v0;
	_ =	sdelay $0x1  }
0x97: {  	v4 =	vadd.s32 v1, v4;
	_ =	sdelay $0x3  }
0x98: {  	s10 =	simm.s32 $0xF100;
	v3 =	vperm.xlane v3, v2  }
0x99: {  	[tilespmem:s10], [sflag:$0x2] =	stream.indirect_vreg.gather [hbm4b:s3+s2], $0x80, v4, vm0, $0xb8;
	[tilespmem:$0x18100] =	vst v63  }
0x9a: {  	v3 =	vadd.s32 v1, v3  }
0x9b: {  	[tilespmem:s11], [sflag:$0x2] =	stream.indirect_vreg.gather [hbm4b:s4+s2], $0x80, v4, vm0, $0xb8;
	[tilespmem:$0x18100] =	vst v63  }
0x9c: {  	_ = 	snop  }
0x9d: {  	[tilespmem:s12], [sflag:$0x2] =	stream.indirect_vreg.gather [hbm4b:s5+s2], $0x80, v4, vm0, $0xb8;
	[tilespmem:$0x18100] =	vst v63  }
0x9e: {  	_ = 	snop  }
0x9f: {  	[tilespmem:s13], [sflag:$0x2] =	stream.indirect_vreg.gather [hbm4b:s3+s2], $0x80, v3, vm0, $0xb8;
	[tilespmem:$0x18100] =	vst v63  }
0xa0: {  	_ = 	snop  }
0xa1: {  	[tilespmem:s14], [sflag:$0x2] =	stream.indirect_vreg.gather [hbm4b:s4+s2], $0x80, v3, vm0, $0xb8;
	[tilespmem:$0x18100] =	vst v63  }
0xa2: {  	_ = 	snop  }
0xa3: {  	[tilespmem:s15], [sflag:$0x2] =	stream.indirect_vreg.gather [hbm4b:s5+s2], $0x80, v3, vm0, $0xb8;
	[tilespmem:$0x18100] =	vst v63  }
0xa4: {  	v3 =	vld [tilespmem:$0xA0];
	_ =	sdelay $0x4  }
0xa5: {  	v62 =	vshrl.u32 v3, $0x3  }
0xa6: {  	v4 =	vmul.u32 $0x30, v62  }
0xa7: {  	v3 =	vand.u32 $0x7, v3  }
0xa8: {  	v3 =	vor.u32 v3, v4  }
0xa9: {  	v4 =	vperm.xlane v3, v0;
	_ =	sdelay $0x1  }
0xaa: {  	v4 =	vadd.s32 v1, v4;
	_ =	sdelay $0x3  }
0xab: {  	v3 =	vperm.xlane v3, v2  }
0xac: {  	[tilespmem:s16], [sflag:$0x2] =	stream.indirect_vreg.gather [hbm4b:s3+s2], $0x80, v4, vm0, $0xb8;
	[tilespmem:$0x18100] =	vst v63  }
0xad: {  	v3 =	vadd.s32 v1, v3  }
0xae: {  	[tilespmem:s17], [sflag:$0x2] =	stream.indirect_vreg.gather [hbm4b:s4+s2], $0x80, v4, vm0, $0xb8;
	[tilespmem:$0x18100] =	vst v63  }
0xaf: {  	_ = 	snop  }
0xb0: {  	[tilespmem:s18], [sflag:$0x2] =	stream.indirect_vreg.gather [hbm4b:s5+s2], $0x80, v4, vm0, $0xb8;
	[tilespmem:$0x18100] =	vst v63  }
0xb1: {  	_ = 	snop  }
0xb2: {  	[tilespmem:s19], [sflag:$0x2] =	stream.indirect_vreg.gather [hbm4b:s3+s2], $0x80, v3, vm0, $0xb8;
	[tilespmem:$0x18100] =	vst v63  }
0xb3: {  	_ = 	snop  }
0xb4: {  	[tilespmem:s20], [sflag:$0x2] =	stream.indirect_vreg.gather [hbm4b:s4+s2], $0x80, v3, vm0, $0xb8;
	[tilespmem:$0x18100] =	vst v63  }
0xb5: {  	_ = 	snop  }
0xb6: {  	[tilespmem:s21], [sflag:$0x2] =	stream.indirect_vreg.gather [hbm4b:s5+s2], $0x80, v3, vm0, $0xb8;
	[tilespmem:$0x18100] =	vst v63  }
0xb7: {  	v3 =	vld [tilespmem:$0xB0];
	_ =	sdelay $0x4  }
0xb8: {  	v63 =	vshrl.u32 v3, $0x3  }
0xb9: {  	v4 =	vmul.u32 $0x30, v63  }
0xba: {  	v3 =	vand.u32 $0x7, v3  }
0xbb: {  	v3 =	vor.u32 v3, v4  }
0xbc: {  	v4 =	vperm.xlane v3, v0;
	_ =	sdelay $0x1  }
0xbd: {  	v4 =	vadd.s32 v1, v4;
	_ =	sdelay $0x3  }
0xbe: {  	v3 =	vperm.xlane v3, v2  }
0xbf: {  	[tilespmem:s22], [sflag:$0x2] =	stream.indirect_vreg.gather [hbm4b:s3+s2], $0x80, v4, vm0, $0xb8;
	[tilespmem:$0x18100] =	vst v63  }
0xc0: {  	v3 =	vadd.s32 v1, v3  }
0xc1: {  	[tilespmem:s23], [sflag:$0x2] =	stream.indirect_vreg.gather [hbm4b:s4+s2], $0x80, v4, vm0, $0xb8;
	[tilespmem:$0x18100] =	vst v63  }
0xc2: {  	_ = 	snop  }
0xc3: {  	[tilespmem:s24], [sflag:$0x2] =	stream.indirect_vreg.gather [hbm4b:s5+s2], $0x80, v4, vm0, $0xb8;
	[tilespmem:$0x18100] =	vst v63  }
0xc4: {  	_ = 	snop  }
0xc5: {  	[tilespmem:s25], [sflag:$0x2] =	stream.indirect_vreg.gather [hbm4b:s3+s2], $0x80, v3, vm0, $0xb8;
	[tilespmem:$0x18100] =	vst v63  }
0xc6: {  	_ = 	snop  }
0xc7: {  	[tilespmem:s26], [sflag:$0x2] =	stream.indirect_vreg.gather [hbm4b:s4+s2], $0x80, v3, vm0, $0xb8;
	[tilespmem:$0x18100] =	vst v63  }
0xc8: {  	_ = 	snop  }
0xc9: {  	[tilespmem:s28], [sflag:$0x2] =	stream.indirect_vreg.gather [hbm4b:s5+s2], $0x80, v3, vm0, $0xb8;
	[tilespmem:$0x18100] =	vst v63  }
0xca: {  	_ =	swait.ge [sflag:s29], $0xC000  }
0xcb: {  	[sflag:s29] =	ssyncset.done $0x0  }
0xcc: {  	s10 =	rddreg [dreg:$0x5];
	[sflag:s29] =	ssyncadd.s32 $0xFFFF4000  }
0xcd: {  	[hbm4b:s10+s2] =	stream.linear.scatter [tilespmem:s8], [sflag:$0x3], $0xC000, $0x38;
	[tilespmem:$0x18100] =	vst v63  }
0xce: {  	_ =	swait.ge [sflag:s30], $0xC000  }
0xcf: {  	[sflag:s30] =	ssyncset.done $0x0  }
0xd0: {  	s10 =	rddreg [dreg:$0x6];
	[sflag:s30] =	ssyncadd.s32 $0xFFFF4000  }
0xd1: {  	[hbm4b:s10+s2] =	stream.linear.scatter [tilespmem:s9], [sflag:$0x4], $0xC000, $0x38;
	[tilespmem:$0x18100] =	vst v63  }
0xd2: {  	p0 =	sne.s32 s6, $0x1;
	_ =	swait.ge [sflag:s31], $0xC000  }
.Ltmp0:
0xd3: {  	[sflag:s31] =	ssyncset.done $0x0;
	(pc) =	sbr.rel @p0 .LBB2_1-.Ltmp0, $4  }
0xd4: {  	[sflag:s31] =	ssyncadd.s32 $0xFFFF4000  }
0xd5: {  	_ =	swait.ge [sflag:s1], $0xC000  }
0xd6: {  	[sflag:s1] =	ssyncset.done $0x0  }
0xd7: {  	s6 =	sadd.s32 $0xFFFFFFFF, s6;
	[sflag:s1] =	ssyncadd.s32 $0xFFFF4000  }
0xd8: {  	_ =	sfence.sel $0x180000  }
0xd9: {  	[bflag:$0x0] =	sbarrier.arrive $0xFFFF  }
0xda: {  	_ =	strace $0x9000004A  }
0xdb: {  	s0 =	stileid.u32;
	[bflag:$0x2] =	sbarrier.arrive $0xFFFF  }
0xdc: {  	p0 =	sne.s32 s0, $0x0;
	s0 =	rddreg [dreg:$0x2]  }
0xdd: {  	s0 =	sadd.s32 @!p0 $0x100000, s0  }
0xde: {  	[sflag:s0] =	ssyncadd.tile.s32 @!p0 $0x1;
	_ =	shalt  }
.Lfunc_end2:
_tile_overlayer_lowered:
.L_overlay_start_2:
0xdf: {  	(tag) =	ssettag $0x2  }
0xe0: {  	s0 =	rddreg [dreg:$0x0];
	s2 =	stileid.u32  }
0xe1: {  	s1 =	rddreg [dreg:$0x1];
	p0 =	sne.s32 s2, $0x0  }
0xe2: {  	s3 =	rddreg [dreg:$0x2];
	[bflag:$0x3] =	sbarrier.arrive $0xFFFF;
	s2 =	simm.s32 @!p0 $0x1C05  }
0xe3: {  	[timem:s3], [sflag:s2] =	dma.local @!p0 [hbm:s0], s1  }
0xe4: {  	s0 =	simm.s32 @!p0 $0x5  }
0xe5: {  	_ =	swait.ge @!p0 [sflag:s0], s1  }
0xe6: {  	s1 =	ssub.s32 @!p0 $0x0, s1;
	[sflag:s0] =	ssyncset.done @!p0 $0x0  }
0xe7: {  	[sflag:s0] =	ssyncadd.s32 @!p0 s1  }
0xe8: {  	[bflag:$0x3] =	sbarrier.arrive $0xFFFF  }
0xe9: {  	_ =	shalt  }

// kernel: kernel.7.cloned.1.call-start
scs
__scs_entry_jumppad:
0x0: {  	(pc) =	sbr.rel $0x88, $3  }
0x1: {  	(tag) =	ssettag $0x0;
	lr =	simm.s32 $0x1  }
0x2: {  	[smem:$0x3F9C] =	sst lr;
	_ =	strace $0xD0000000  }
0x3: {  	_ = 	snop  }
0x4: {  	_ = 	snop  }
0x5: {  	_ = 	snop  }
0x6: {  	_ = 	snop  }
0x7: {  	_ = 	snop  }
__scs_overlays_trampoline_lowered:
0x8: {  	[smem:$0x3FAB] =	sst s0  }
0x9: {  	[smem:$0x3FAC] =	sst s1  }
0xa: {  	[smem:$0x3FAD] =	sst s2  }
0xb: {  	[smem:$0x3FAE] =	sst s3  }
0xc: {  	[smem:$0x3FAF] =	sst s4  }
0xd: {  	[smem:$0x3FB0] =	sst s5  }
0xe: {  	[smem:$0x3FB1] =	sst s6  }
0xf: {  	[smem:$0x3FB2] =	sst s7  }
0x10: {  	[smem:$0x3FB3] =	sst s8  }
0x11: {  	[smem:$0x3FB4] =	sst s9;
	s0 =	simm.s32 @!p0 $0x0  }
0x12: {  	s1 =	sld [smem:$0x3F9A];
	s0 =	simm.s32 @p0 $0x1  }
0x13: {  	[smem:$0x3FB5] =	sst s0;
	s0 =	simm.s32 @!p1 $0x0  }
0x14: {  	s2 =	sld [smem:$0x3F99];
	s0 =	simm.s32 @p1 $0x1  }
0x15: {  	[smem:$0x3FB6] =	sst s0;
	s0 =	simm.s32 @!p2 $0x0  }
0x16: {  	s3 =	sld [smem:$0x3FDB];
	s0 =	simm.s32 @p2 $0x1  }
0x17: {  	s4 =	simm.s32 $0x1BF5;
	[smem:$0x3FB8] =	sst s0  }
0x18: {  	s0 =	sld [smem:$0x3F9B];
	_ =	swait.ge [sflag:s4], $0x0  }
0x19: {  	s7 =	sld [smem:$0x3F9C]  }
0x1a: {  	s8 =	sadd.s32 $0xFFFFE003, lr  }
0x1b: {  	s9 =	sadd.s32 $0xFFFFFEF7, lr;
	s5 =	simm.s32 $0xFFFFFFFF;
	p2 =	slt.u32 s8, $0xFFFFF086  }
0x1c: {  	p1 =	slt.u32 s9, $0xF7A;
	s5 =	simm.s32 @!p2 $0x0  }
0x1d: {  	s5 =	simm.s32 @p1 $0x1;
	p0 =	seq.s32 s7, s2  }
0x1e: {  	s7 =	smul.u32 @!p0 $0xF7A, s2;
	p2 =	seq.s32 @!p0 s5, $0x0  }
0x1f: {  	s9 =	smul.u32 $0xF7A, s1;
	s8 =	simm.s32 @!p0 $0x1BF5;
	p2 =	por !p2, p0  }
0x20: {  	[sflag:s8] =	ssyncset.s32 @!p0 $0xFFFFF086;
	s6 =	sadd.s32 @!p0 s3, s7;
	s7 =	simm.s32 @!p0 $0x108  }
0x21: {  	s3 =	sadd.s32 s3, s9;
	s6 =	sadd.s32 @!p0 $0x88, s6;
	s7 =	simm.s32 @p2 $0x1082  }
0x22: {  	[simem:s7], [sflag:s8] =	dma.local @!p0 [hbm:s6], $0xF7A  }
0x23: {  	s9 =	sor.u32 $0xD0000000, s2;
	s6 =	simm.s32 $0x108;
	_ =	swait.ge @!p0 [sflag:s8], $0x0  }
0x24: {  	s3 =	sadd.s32 $0x88, s3;
	s6 =	simm.s32 @!p1 $0x1082;
	[sflag:s4] =	ssyncset.s32 $0xFFFFF086  }
0x25: {  	[simem:s6], [sflag:s4] =	dma.local [hbm:s3], $0xF7A  }
0x26: {  	[smem:$0x3F9C] =	sst s1;
	(tag) =	ssettag s2;
	_ =	strace s9  }
0x27: {  	s1 =	sld [smem:$0x3FAC]  }
0x28: {  	s2 =	sld [smem:$0x3FAD]  }
0x29: {  	s4 =	sld [smem:$0x3FAF]  }
0x2a: {  	p0 =	seq.s32 s5, $0x0;
	s5 =	sld [smem:$0x3FB0]  }
0x2b: {  	s6 =	sld [smem:$0x3FB1]  }
0x2c: {  	s7 =	sld [smem:$0x3FB2]  }
0x2d: {  	s3 =	simm.s32 $0x108;
	s8 =	sld [smem:$0x3FB3]  }
0x2e: {  	s3 =	simm.s32 @!p0 $0x1082;
	s9 =	sld [smem:$0x3FB4]  }
0x2f: {  	lr =	sadd.s32 s0, s3;
	s0 =	sld [smem:$0x3FAB]  }
0x30: {  	s3 =	sld [smem:$0x3FAE]  }
0x31: {  	[smem:$0x3FB7] =	sst s10  }
0x32: {  	s10 =	sld [smem:$0x3FB5];
	_ =	sdelay $0x3  }
0x33: {  	p0 =	seq.s32 s10, $0x1;
	s10 =	sld [smem:$0x3FB7];
	_ =	sdelay $0x3  }
0x34: {  	[smem:$0x3FB7] =	sst s10  }
0x35: {  	s10 =	sld [smem:$0x3FB6];
	_ =	sdelay $0x3  }
0x36: {  	p1 =	seq.s32 s10, $0x1;
	s10 =	sld [smem:$0x3FB7];
	_ =	sdelay $0x3  }
0x37: {  	[smem:$0x3FB7] =	sst s10  }
0x38: {  	s10 =	sld [smem:$0x3FB8]  }
0x39: {  	_ = 	snop;
	(pc) =	sbr.ind lr, $3  }
0x3a: {  	_ = 	snop  }
0x3b: {  	_ = 	snop  }
0x3c: {  	p2 =	seq.s32 s10, $0x1;
	s10 =	sld [smem:$0x3FB7]  }
0x3d: {  	_ =	shalt  }
0x3e: {  	_ =	shalt  }
0x3f: {  	_ =	shalt  }
0x40: {  	_ =	shalt  }
0x41: {  	_ =	shalt  }
0x42: {  	_ =	shalt  }
0x43: {  	_ =	shalt  }
0x44: {  	_ =	shalt  }
0x45: {  	_ =	shalt  }
0x46: {  	_ =	shalt  }
0x47: {  	_ =	shalt  }
0x48: {  	_ =	shalt  }
0x49: {  	_ =	shalt  }
0x4a: {  	_ =	shalt  }
0x4b: {  	_ =	shalt  }
0x4c: {  	_ =	shalt  }
0x4d: {  	_ =	shalt  }
0x4e: {  	_ =	shalt  }
0x4f: {  	_ =	shalt  }
0x50: {  	_ =	shalt  }
0x51: {  	_ =	shalt  }
0x52: {  	_ =	shalt  }
0x53: {  	_ =	shalt  }
0x54: {  	_ =	shalt  }
0x55: {  	_ =	shalt  }
0x56: {  	_ =	shalt  }
0x57: {  	_ =	shalt  }
0x58: {  	_ =	shalt  }
0x59: {  	_ =	shalt  }
0x5a: {  	_ =	shalt  }
0x5b: {  	_ =	shalt  }
0x5c: {  	_ =	shalt  }
0x5d: {  	_ =	shalt  }
0x5e: {  	_ =	shalt  }
0x5f: {  	_ =	shalt  }
0x60: {  	_ =	shalt  }
0x61: {  	_ =	shalt  }
0x62: {  	_ =	shalt  }
0x63: {  	_ =	shalt  }
0x64: {  	_ =	shalt  }
0x65: {  	_ =	shalt  }
0x66: {  	_ =	shalt  }
0x67: {  	_ =	shalt  }
0x68: {  	_ =	shalt  }
0x69: {  	_ =	shalt  }
0x6a: {  	_ =	shalt  }
0x6b: {  	_ =	shalt  }
0x6c: {  	_ =	shalt  }
0x6d: {  	_ =	shalt  }
0x6e: {  	_ =	shalt  }
0x6f: {  	_ =	shalt  }
0x70: {  	_ =	shalt  }
0x71: {  	_ =	shalt  }
0x72: {  	_ =	shalt  }
0x73: {  	_ =	shalt  }
0x74: {  	_ =	shalt  }
0x75: {  	_ =	shalt  }
0x76: {  	_ =	shalt  }
0x77: {  	_ =	shalt  }
0x78: {  	_ =	shalt  }
0x79: {  	_ =	shalt  }
0x7a: {  	_ =	shalt  }
0x7b: {  	_ =	shalt  }
0x7c: {  	_ =	shalt  }
0x7d: {  	_ =	shalt  }
0x7e: {  	_ =	shalt  }
0x7f: {  	_ =	shalt  }
0x80: {  	_ =	shalt  }
0x81: {  	_ =	shalt  }
0x82: {  	_ =	shalt  }
0x83: {  	_ =	shalt  }
0x84: {  	_ =	shalt  }
0x85: {  	_ =	shalt  }
0x86: {  	_ =	shalt  }
0x87: {  	_ =	shalt  }
.Lfunc_end0:
.L_simem_size_0:
called_computation_lowered:
.L_overlay_start_0:
0x88: {  	s2 =	sld [smem:$0x3FD9]  }
0x89: {  	s3 =	sld [smem:$0x3FFE];
	_ =	sdelay $0x1  }
0x8a: {  	s1 =	srdreg.scid  }
0x8b: {  	s0 =	sand.u32 $0x1, s1  }
0x8c: {  	s17 =	sshll.u32 s0, $0xA;
	s2 =	sadd.s32 s3, s2  }
0x8d: {  	s2 =	sadd.s32 s2, s17  }
0x8e: {  	[smem:$0x3FC3] =	sst s2  }
0x8f: {  	_ = 	snop  }
0x90: {  	s2 =	sld [smem:$0x3FC9];
	(tm) =	ssettm $0x1  }
0x91: {  	s18 =	sld [smem:$0x3FFB];
	_ =	sdelay $0x3  }
0x92: {  	_ =	strace s18  }
0x93: {  	s3 =	sld [smem:$0x3FFC];
	_ =	sdelay $0x3  }
0x94: {  	_ =	strace s3  }
0x95: {  	s3 =	sld [smem:$0x3FFD];
	_ =	sdelay $0x3  }
0x96: {  	_ =	strace s3  }
0x97: {  	_ =	strace $0x8FFFFFFF  }
0x98: {  	s19 =	sld [smem:$0x3FDB];
	_ =	sdelay $0x1  }
0x99: {  	s4 =	simm.s32 $_scs_section_size  }
0x9a: {  	s5 =	simm.s32 $_size__tile_overlayer_lowered;
	s6 =	simm.s32 $_tile_overlayer_lowered  }
0x9b: {  	s22 =	simm.s32 $0x1BFF;
	s21 =	sshll.u32 s6, $0x1;
	s3 =	sadd.s32 s4, s19  }
0x9c: {  	s7 =	simm.s32 $0x0;
	s20 =	sshll.u32 s5, $0x1;
	s5 =	sadd.s32 s21, s3  }
0x9d: {  	[timem:s7], [sflag:s22] =	dma.local [hbm:s5], s20  }
0x9e: {  	_ =	swait.ge [sflag:s22], s20  }
0x9f: {  	s4 =	ssub.s32 $0x0, s20;
	[sflag:s22] =	ssyncset.done $0x0  }
0xa0: {  	[sflag:s22] =	ssyncadd.s32 s4;
	_ =	sdelay $0x1  }
0xa1: {  	s23 =	simm.s32 $0x1B8B  }
0xa2: {  	_ =	swait.ge [sflag:s23], $0x1  }
0xa3: {  	[sflag:s23] =	ssyncset.done $0x0  }
0xa4: {  	s25 =	simm.s32 $0x1B8E;
	s24 =	sld [smem:$0x3FFE];
	[sflag:s23] =	ssyncadd.s32 $0xFFFFFFFF  }
0xa5: {  	s26 =	simm.s32 $execute0_lowered;
	[smem:$0x3FD2] =	sst s25  }
0xa6: {  	s5 =	sshll.u32 s26, $0x1;
	_ =	strace $0x80000046;
	[dreg:$0x1] =	wrdreg $0xFFFFFFFF  }
0xa7: {  	s28 =	simm.s32 $_size_execute0_lowered;
	s3 =	sadd.s32 s3, s5;
	[dreg:$0x0] =	wrdreg $0x0  }
0xa8: {  	s5 =	sshll.u32 s28, $0x1;
	[dreg:$0x2] =	wrdreg s3  }
0xa9: {  	[dreg:$0x3] =	wrdreg s5  }
0xaa: {  	[dreg:$0x4] =	wrdreg $0xC0  }
0xab: {  	_ =	task [dreg:s7], $0x5FFFF  }
0xac: {  	[dreg:$0x1] =	wrdreg $0xFFFFFFFF  }
0xad: {  	[dreg:$0x0] =	wrdreg $0x60  }
0xae: {  	[dreg:$0x2] =	wrdreg s2  }
0xaf: {  	[dreg:$0x3] =	wrdreg s24  }
0xb0: {  	[dreg:$0x4] =	wrdreg $0x9  }
0xb1: {  	_ =	task.clear_ibuf [dreg:s7], $0x5FFFF;
	_ =	strace $0x90000046  }
0xb2: {  	s29 =	simm.s32 $0x9;
	_ =	strace $0x80000048  }
0xb3: {  	_ =	swait.ge [sflag:s29], $0x1  }
0xb4: {  	[sflag:s29] =	ssyncadd.s32 $0xFFFFFFFF  }
0xb5: {  	_ =	strace $0x90000048  }
0xb6: {  	_ =	sfence  }
0xb7: {  	s30 =	sld [smem:$0x0];
	_ =	sdelay $0x2  }
0xb8: {  	s31 =	sshll.u32 s1, $0xD;
	s1 =	sshrl.u32 s1, $0x2  }
0xb9: {  	s3 =	sand.u32 $0x4000, s31;
	s1 =	sadd.s32 s1, s30  }
0xba: {  	s0 =	sor.u32 s3, s0;
	s1 =	sshll.u32 s1, $0x11  }
0xbb: {  	s0 =	sor.u32 s1, s0  }
0xbc: {  	s0 =	sadd.s32 $0x8F2B, s0  }
0xbd: {  	[sflag:s0] =	ssyncadd.remote.s32 $0x1  }
0xbe: {  	_ =	sfence.sel $0xFFFF  }
0xbf: {  	[dreg:$0x0] =	wrdreg $0xFFFFFFFF;
	(pc) =	sbr.abs _section_cstart, $3  }
0xc0: {  	[dreg:$0x1] =	wrdreg $0xFFFFFFFF  }
0xc1: {  	_ =	task.clear_ibuf [dreg:s7], $0x2FFFF;
	_ =	strace $0x9FFFFFFF  }
0xc2: {  	(tm) =	ssettm $0x7FFFFFFF  }
0xc3: {  	_ =	shalt  }
tec
execute0_lowered:
.L_overlay_start_1:
0x0: {  	(tag) =	ssettag $0x1  }
0x1: {  	s0 =	rddreg [dreg:$0x0]  }
0x2: {  	s1 =	rddreg [dreg:$0x1];
	s2 =	srdreg.scid  }
0x3: {  	s3 =	stileid.u32;
	s26 =	simm.s32 $0x80;
	s9 =	simm.s32 $0x2  }
0x4: {  	s12 =	simm.s32 $0x1900;
	s13 =	simm.s32 $0x2100;
	s14 =	simm.s32 $0x2900  }
0x5: {  	s15 =	simm.s32 $0x3100;
	s16 =	simm.s32 $0x3900;
	s17 =	simm.s32 $0x4100  }
0x6: {  	s18 =	simm.s32 $0x4900;
	s19 =	simm.s32 $0x5100;
	s20 =	simm.s32 $0x5900  }
0x7: {  	s21 =	simm.s32 $0x6100;
	s22 =	simm.s32 $0x6900;
	s23 =	simm.s32 $0x7100  }
0x8: {  	s24 =	simm.s32 $0x7900;
	s28 =	simm.s32 $0x9100;
	s29 =	simm.s32 $0x9900  }
0x9: {  	s30 =	simm.s32 $0xA100;
	s31 =	simm.s32 $0xA900;
	s4 =	sand.u32 $0x1, s2  }
0xa: {  	s2 =	simm.s32 $0x0;
	s3 =	sshll.u32 s3, $0x4;
	s5 =	sshll.u32 s4, $0x3  }
0xb: {  	[smem:$0x7FF] =	sst s2;
	s4 =	ssub.s32 $0x2, s4;
	s5 =	sor.u32 s5, s3  }
0xc: {  	_ =	strace $0x80000047;
	s3 =	sadd.s32 $0x2000, s1;
	s8 =	sshrl.u32 s4, $0x1  }
0xd: {  	[dreg:$0x6] =	wrdreg s26;
	s26 =	simm.s32 $0x8900;
	s6 =	sadd.s32 s5, s1  }
0xe: {  	s5 =	smul.u32 $0x300, s5;
	s25 =	ssub.s32 s4, s8;
	s7 =	sadd.s32 $0x1E00, s6  }
0xf: {  	s4 =	sadd.s32 $0x2100, s1;
	s6 =	sadd.s32 $0x1C00, s6;
	[dreg:$0x3] =	wrdreg s7  }
0x10: {  	v2 =	vlaneseq.u32;
	s8 =	simm.s32 $0xB900;
	[dreg:$0x4] =	wrdreg s6;
	s0 =	sadd.s32 s0, s5  }
0x11: {  	vm0 =	vmmov $0xffff;
	v1 =	vshrl.u32 v2, $0x3;
	s5 =	sadd.s32 $0x2200, s1;
	s6 =	smax.u32 s25, $0x1;
	s7 =	simm.s32 $0x3  }
0x12: {  	v0 =	vand.u32 $0x7, v2;
	v2 =	vor.u32 $0x8, v2;
	v1 =	vmul.u32 $0x8, v1;
	s1 =	simm.s32 $0x100;
	s25 =	simm.s32 $0x8100;
	[dreg:$0x5] =	wrdreg s0  }
.LBB2_1:
0x13: {  	s10 =	rddreg [dreg:$0x3]  }
0x14: {  	[tilespmem:s2], [sflag:$0x3] =	stream.linear.gather [hbm4b:s10+s2], $0x40, $0x38;
	[tilespmem:$0xC100] =	vst v63  }
0x15: {  	_ =	swait.ge [sflag:s7], $0x40  }
0x16: {  	s0 =	rddreg [dreg:$0x4];
	[sflag:s7] =	ssyncset.done $0x0  }
0x17: {  	s11 =	rddreg [dreg:$0x6];
	[sflag:s7] =	ssyncadd.s32 $0xFFFFFFC0  }
0x18: {  	[tilespmem:s11], [sflag:$0x3] =	stream.linear.gather [hbm4b:s0+s2], $0x40, $0x38;
	[tilespmem:$0xC100] =	vst v63  }
0x19: {  	_ =	swait.ge [sflag:s7], $0x40  }
0x1a: {  	[sflag:s7] =	ssyncset.done $0x0  }
0x1b: {  	s0 =	rddreg [dreg:$0x5];
	[sflag:s7] =	ssyncadd.s32 $0xFFFFFFC0  }
0x1c: {  	[tilespmem:s1], [sflag:$0x3] =	stream.linear.gather [hbm4b:s0+s2], $0xC000, $0x38;
	[tilespmem:$0xC100] =	vst v63  }
0x1d: {  	_ =	swait.ge [sflag:s7], $0xC000  }
0x1e: {  	[sflag:s7] =	ssyncset.done $0x0  }
0x1f: {  	[sflag:s7] =	ssyncadd.s32 $0xFFFF4000  }
0x20: {  	v3 =	vld [tilespmem:$0x0];
	_ =	sdelay $0x4  }
0x21: {  	v4 =	vshrl.u32 v3, $0x3  }
0x22: {  	v4 =	vmul.u32 $0x30, v4  }
0x23: {  	v3 =	vand.u32 $0x7, v3  }
0x24: {  	v3 =	vor.u32 v3, v4  }
0x25: {  	v4 =	vperm.xlane v3, v0;
	_ =	sdelay $0x1  }
0x26: {  	v4 =	vadd.s32 v1, v4;
	_ =	sdelay $0x3  }
0x27: {  	v3 =	vperm.xlane v3, v2  }
0x28: {  	[hbm4b:s3+s2] =	stream.indirect_vreg.scatter [tilespmem:s1], [sflag:$0x1], $0x80, v4, vm0, $0xb8;
	[tilespmem:$0xC100] =	vst v63  }
0x29: {  	s10 =	simm.s32 $0x900;
	v3 =	vadd.s32 v1, v3  }
0x2a: {  	[hbm4b:s4+s2] =	stream.indirect_vreg.scatter [tilespmem:s10], [sflag:$0x1], $0x80, v4, vm0, $0xb8;
	[tilespmem:$0xC100] =	vst v63  }
0x2b: {  	s11 =	simm.s32 $0x1100  }
0x2c: {  	[hbm4b:s5+s2] =	stream.indirect_vreg.scatter [tilespmem:s11], [sflag:$0x1], $0x80, v4, vm0, $0xb8;
	[tilespmem:$0xC100] =	vst v63  }
0x2d: {  	_ = 	snop  }
0x2e: {  	[hbm4b:s3+s2] =	stream.indirect_vreg.scatter [tilespmem:s12], [sflag:$0x1], $0x80, v3, vm0, $0xb8;
	[tilespmem:$0xC100] =	vst v63  }
0x2f: {  	_ = 	snop  }
0x30: {  	[hbm4b:s4+s2] =	stream.indirect_vreg.scatter [tilespmem:s13], [sflag:$0x1], $0x80, v3, vm0, $0xb8;
	[tilespmem:$0xC100] =	vst v63  }
0x31: {  	_ = 	snop  }
0x32: {  	[hbm4b:s5+s2] =	stream.indirect_vreg.scatter [tilespmem:s14], [sflag:$0x1], $0x80, v3, vm0, $0xb8;
	[tilespmem:$0xC100] =	vst v63  }
0x33: {  	v3 =	vld [tilespmem:$0x10];
	_ =	sdelay $0x4  }
0x34: {  	v57 =	vshrl.u32 v3, $0x3  }
0x35: {  	v4 =	vmul.u32 $0x30, v57  }
0x36: {  	v3 =	vand.u32 $0x7, v3  }
0x37: {  	v3 =	vor.u32 v3, v4  }
0x38: {  	v4 =	vperm.xlane v3, v0;
	_ =	sdelay $0x1  }
0x39: {  	v4 =	vadd.s32 v1, v4;
	_ =	sdelay $0x3  }
0x3a: {  	v3 =	vperm.xlane v3, v2  }
0x3b: {  	[hbm4b:s3+s2] =	stream.indirect_vreg.scatter [tilespmem:s15], [sflag:$0x1], $0x80, v4, vm0, $0xb8;
	[tilespmem:$0xC100] =	vst v63  }
0x3c: {  	v3 =	vadd.s32 v1, v3  }
0x3d: {  	[hbm4b:s4+s2] =	stream.indirect_vreg.scatter [tilespmem:s16], [sflag:$0x1], $0x80, v4, vm0, $0xb8;
	[tilespmem:$0xC100] =	vst v63  }
0x3e: {  	_ = 	snop  }
0x3f: {  	[hbm4b:s5+s2] =	stream.indirect_vreg.scatter [tilespmem:s17], [sflag:$0x1], $0x80, v4, vm0, $0xb8;
	[tilespmem:$0xC100] =	vst v63  }
0x40: {  	_ = 	snop  }
0x41: {  	[hbm4b:s3+s2] =	stream.indirect_vreg.scatter [tilespmem:s18], [sflag:$0x1], $0x80, v3, vm0, $0xb8;
	[tilespmem:$0xC100] =	vst v63  }
0x42: {  	_ = 	snop  }
0x43: {  	[hbm4b:s4+s2] =	stream.indirect_vreg.scatter [tilespmem:s19], [sflag:$0x1], $0x80, v3, vm0, $0xb8;
	[tilespmem:$0xC100] =	vst v63  }
0x44: {  	_ = 	snop  }
0x45: {  	[hbm4b:s5+s2] =	stream.indirect_vreg.scatter [tilespmem:s20], [sflag:$0x1], $0x80, v3, vm0, $0xb8;
	[tilespmem:$0xC100] =	vst v63  }
0x46: {  	v3 =	vld [tilespmem:$0x20];
	_ =	sdelay $0x4  }
0x47: {  	v58 =	vshrl.u32 v3, $0x3  }
0x48: {  	v4 =	vmul.u32 $0x30, v58  }
0x49: {  	v3 =	vand.u32 $0x7, v3  }
0x4a: {  	v3 =	vor.u32 v3, v4  }
0x4b: {  	v4 =	vperm.xlane v3, v0;
	_ =	sdelay $0x1  }
0x4c: {  	v4 =	vadd.s32 v1, v4;
	_ =	sdelay $0x3  }
0x4d: {  	v3 =	vperm.xlane v3, v2  }
0x4e: {  	[hbm4b:s3+s2] =	stream.indirect_vreg.scatter [tilespmem:s21], [sflag:$0x1], $0x80, v4, vm0, $0xb8;
	[tilespmem:$0xC100] =	vst v63  }
0x4f: {  	v3 =	vadd.s32 v1, v3  }
0x50: {  	[hbm4b:s4+s2] =	stream.indirect_vreg.scatter [tilespmem:s22], [sflag:$0x1], $0x80, v4, vm0, $0xb8;
	[tilespmem:$0xC100] =	vst v63  }
0x51: {  	_ = 	snop  }
0x52: {  	[hbm4b:s5+s2] =	stream.indirect_vreg.scatter [tilespmem:s23], [sflag:$0x1], $0x80, v4, vm0, $0xb8;
	[tilespmem:$0xC100] =	vst v63  }
0x53: {  	_ = 	snop  }
0x54: {  	[hbm4b:s3+s2] =	stream.indirect_vreg.scatter [tilespmem:s24], [sflag:$0x1], $0x80, v3, vm0, $0xb8;
	[tilespmem:$0xC100] =	vst v63  }
0x55: {  	_ = 	snop  }
0x56: {  	[hbm4b:s4+s2] =	stream.indirect_vreg.scatter [tilespmem:s25], [sflag:$0x1], $0x80, v3, vm0, $0xb8;
	[tilespmem:$0xC100] =	vst v63  }
0x57: {  	_ = 	snop  }
0x58: {  	[hbm4b:s5+s2] =	stream.indirect_vreg.scatter [tilespmem:s26], [sflag:$0x1], $0x80, v3, vm0, $0xb8;
	[tilespmem:$0xC100] =	vst v63  }
0x59: {  	v3 =	vld [tilespmem:$0x30];
	_ =	sdelay $0x4  }
0x5a: {  	v59 =	vshrl.u32 v3, $0x3  }
0x5b: {  	v4 =	vmul.u32 $0x30, v59  }
0x5c: {  	v3 =	vand.u32 $0x7, v3  }
0x5d: {  	v3 =	vor.u32 v3, v4  }
0x5e: {  	v4 =	vperm.xlane v3, v0;
	_ =	sdelay $0x1  }
0x5f: {  	v4 =	vadd.s32 v1, v4;
	_ =	sdelay $0x3  }
0x60: {  	v3 =	vperm.xlane v3, v2  }
0x61: {  	[hbm4b:s3+s2] =	stream.indirect_vreg.scatter [tilespmem:s28], [sflag:$0x1], $0x80, v4, vm0, $0xb8;
	[tilespmem:$0xC100] =	vst v63  }
0x62: {  	v3 =	vadd.s32 v1, v3  }
0x63: {  	[hbm4b:s4+s2] =	stream.indirect_vreg.scatter [tilespmem:s29], [sflag:$0x1], $0x80, v4, vm0, $0xb8;
	[tilespmem:$0xC100] =	vst v63  }
0x64: {  	_ = 	snop  }
0x65: {  	[hbm4b:s5+s2] =	stream.indirect_vreg.scatter [tilespmem:s30], [sflag:$0x1], $0x80, v4, vm0, $0xb8;
	[tilespmem:$0xC100] =	vst v63  }
0x66: {  	_ = 	snop  }
0x67: {  	[hbm4b:s3+s2] =	stream.indirect_vreg.scatter [tilespmem:s31], [sflag:$0x1], $0x80, v3, vm0, $0xb8;
	[tilespmem:$0xC100] =	vst v63  }
0x68: {  	s0 =	simm.s32 $0xB100  }
0x69: {  	[hbm4b:s4+s2] =	stream.indirect_vreg.scatter [tilespmem:s0], [sflag:$0x1], $0x80, v3, vm0, $0xb8;
	[tilespmem:$0xC100] =	vst v63  }
0x6a: {  	_ = 	snop  }
0x6b: {  	[hbm4b:s5+s2] =	stream.indirect_vreg.scatter [tilespmem:s8], [sflag:$0x1], $0x80, v3, vm0, $0xb8;
	[tilespmem:$0xC100] =	vst v63  }
0x6c: {  	v3 =	vld [tilespmem:$0x80];
	_ =	sdelay $0x4  }
0x6d: {  	v60 =	vshrl.u32 v3, $0x3  }
0x6e: {  	v4 =	vmul.u32 $0x30, v60  }
0x6f: {  	v3 =	vand.u32 $0x7, v3  }
0x70: {  	v3 =	vor.u32 v3, v4  }
0x71: {  	v4 =	vperm.xlane v3, v0;
	_ =	sdelay $0x1  }
0x72: {  	v4 =	vadd.s32 v1, v4;
	_ =	sdelay $0x3  }
0x73: {  	v3 =	vperm.xlane v3, v2  }
0x74: {  	[hbm4b:s3+s2] =	stream.indirect_vreg.scatter [tilespmem:s1], [sflag:$0x2], $0x80, v4, vm0, $0xb8;
	[tilespmem:$0xC100] =	vst v63  }
0x75: {  	v3 =	vadd.s32 v1, v3  }
0x76: {  	[hbm4b:s4+s2] =	stream.indirect_vreg.scatter [tilespmem:s10], [sflag:$0x2], $0x80, v4, vm0, $0xb8;
	[tilespmem:$0xC100] =	vst v63  }
0x77: {  	_ = 	snop  }
0x78: {  	[hbm4b:s5+s2] =	stream.indirect_vreg.scatter [tilespmem:s11], [sflag:$0x2], $0x80, v4, vm0, $0xb8;
	[tilespmem:$0xC100] =	vst v63  }
0x79: {  	_ = 	snop  }
0x7a: {  	[hbm4b:s3+s2] =	stream.indirect_vreg.scatter [tilespmem:s12], [sflag:$0x2], $0x80, v3, vm0, $0xb8;
	[tilespmem:$0xC100] =	vst v63  }
0x7b: {  	_ = 	snop  }
0x7c: {  	[hbm4b:s4+s2] =	stream.indirect_vreg.scatter [tilespmem:s13], [sflag:$0x2], $0x80, v3, vm0, $0xb8;
	[tilespmem:$0xC100] =	vst v63  }
0x7d: {  	_ = 	snop  }
0x7e: {  	[hbm4b:s5+s2] =	stream.indirect_vreg.scatter [tilespmem:s14], [sflag:$0x2], $0x80, v3, vm0, $0xb8;
	[tilespmem:$0xC100] =	vst v63  }
0x7f: {  	v3 =	vld [tilespmem:$0x90];
	_ =	sdelay $0x4  }
0x80: {  	v61 =	vshrl.u32 v3, $0x3  }
0x81: {  	v4 =	vmul.u32 $0x30, v61  }
0x82: {  	v3 =	vand.u32 $0x7, v3  }
0x83: {  	v3 =	vor.u32 v3, v4  }
0x84: {  	v4 =	vperm.xlane v3, v0;
	_ =	sdelay $0x1  }
0x85: {  	v4 =	vadd.s32 v1, v4;
	_ =	sdelay $0x3  }
0x86: {  	v3 =	vperm.xlane v3, v2  }
0x87: {  	[hbm4b:s3+s2] =	stream.indirect_vreg.scatter [tilespmem:s15], [sflag:$0x2], $0x80, v4, vm0, $0xb8;
	[tilespmem:$0xC100] =	vst v63  }
0x88: {  	v3 =	vadd.s32 v1, v3  }
0x89: {  	[hbm4b:s4+s2] =	stream.indirect_vreg.scatter [tilespmem:s16], [sflag:$0x2], $0x80, v4, vm0, $0xb8;
	[tilespmem:$0xC100] =	vst v63  }
0x8a: {  	_ = 	snop  }
0x8b: {  	[hbm4b:s5+s2] =	stream.indirect_vreg.scatter [tilespmem:s17], [sflag:$0x2], $0x80, v4, vm0, $0xb8;
	[tilespmem:$0xC100] =	vst v63  }
0x8c: {  	_ = 	snop  }
0x8d: {  	[hbm4b:s3+s2] =	stream.indirect_vreg.scatter [tilespmem:s18], [sflag:$0x2], $0x80, v3, vm0, $0xb8;
	[tilespmem:$0xC100] =	vst v63  }
0x8e: {  	_ = 	snop  }
0x8f: {  	[hbm4b:s4+s2] =	stream.indirect_vreg.scatter [tilespmem:s19], [sflag:$0x2], $0x80, v3, vm0, $0xb8;
	[tilespmem:$0xC100] =	vst v63  }
0x90: {  	_ = 	snop  }
0x91: {  	[hbm4b:s5+s2] =	stream.indirect_vreg.scatter [tilespmem:s20], [sflag:$0x2], $0x80, v3, vm0, $0xb8;
	[tilespmem:$0xC100] =	vst v63  }
0x92: {  	v3 =	vld [tilespmem:$0xA0];
	_ =	sdelay $0x4  }
0x93: {  	v62 =	vshrl.u32 v3, $0x3  }
0x94: {  	v4 =	vmul.u32 $0x30, v62  }
0x95: {  	v3 =	vand.u32 $0x7, v3  }
0x96: {  	v3 =	vor.u32 v3, v4  }
0x97: {  	v4 =	vperm.xlane v3, v0;
	_ =	sdelay $0x1  }
0x98: {  	v4 =	vadd.s32 v1, v4;
	_ =	sdelay $0x3  }
0x99: {  	v3 =	vperm.xlane v3, v2  }
0x9a: {  	[hbm4b:s3+s2] =	stream.indirect_vreg.scatter [tilespmem:s21], [sflag:$0x2], $0x80, v4, vm0, $0xb8;
	[tilespmem:$0xC100] =	vst v63  }
0x9b: {  	v3 =	vadd.s32 v1, v3  }
0x9c: {  	[hbm4b:s4+s2] =	stream.indirect_vreg.scatter [tilespmem:s22], [sflag:$0x2], $0x80, v4, vm0, $0xb8;
	[tilespmem:$0xC100] =	vst v63  }
0x9d: {  	_ = 	snop  }
0x9e: {  	[hbm4b:s5+s2] =	stream.indirect_vreg.scatter [tilespmem:s23], [sflag:$0x2], $0x80, v4, vm0, $0xb8;
	[tilespmem:$0xC100] =	vst v63  }
0x9f: {  	_ = 	snop  }
0xa0: {  	[hbm4b:s3+s2] =	stream.indirect_vreg.scatter [tilespmem:s24], [sflag:$0x2], $0x80, v3, vm0, $0xb8;
	[tilespmem:$0xC100] =	vst v63  }
0xa1: {  	_ = 	snop  }
0xa2: {  	[hbm4b:s4+s2] =	stream.indirect_vreg.scatter [tilespmem:s25], [sflag:$0x2], $0x80, v3, vm0, $0xb8;
	[tilespmem:$0xC100] =	vst v63  }
0xa3: {  	_ = 	snop  }
0xa4: {  	[hbm4b:s5+s2] =	stream.indirect_vreg.scatter [tilespmem:s26], [sflag:$0x2], $0x80, v3, vm0, $0xb8;
	[tilespmem:$0xC100] =	vst v63  }
0xa5: {  	v3 =	vld [tilespmem:$0xB0];
	_ =	sdelay $0x4  }
0xa6: {  	v63 =	vshrl.u32 v3, $0x3  }
0xa7: {  	v4 =	vmul.u32 $0x30, v63  }
0xa8: {  	v3 =	vand.u32 $0x7, v3  }
0xa9: {  	v3 =	vor.u32 v3, v4  }
0xaa: {  	v4 =	vperm.xlane v3, v0;
	_ =	sdelay $0x1  }
0xab: {  	v4 =	vadd.s32 v1, v4;
	_ =	sdelay $0x3  }
0xac: {  	v3 =	vperm.xlane v3, v2  }
0xad: {  	[hbm4b:s3+s2] =	stream.indirect_vreg.scatter [tilespmem:s28], [sflag:$0x2], $0x80, v4, vm0, $0xb8;
	[tilespmem:$0xC100] =	vst v63  }
0xae: {  	v3 =	vadd.s32 v1, v3  }
0xaf: {  	[hbm4b:s4+s2] =	stream.indirect_vreg.scatter [tilespmem:s29], [sflag:$0x2], $0x80, v4, vm0, $0xb8;
	[tilespmem:$0xC100] =	vst v63  }
0xb0: {  	_ = 	snop  }
0xb1: {  	[hbm4b:s5+s2] =	stream.indirect_vreg.scatter [tilespmem:s30], [sflag:$0x2], $0x80, v4, vm0, $0xb8;
	[tilespmem:$0xC100] =	vst v63  }
0xb2: {  	_ = 	snop  }
0xb3: {  	[hbm4b:s3+s2] =	stream.indirect_vreg.scatter [tilespmem:s31], [sflag:$0x2], $0x80, v3, vm0, $0xb8;
	[tilespmem:$0xC100] =	vst v63  }
0xb4: {  	_ = 	snop  }
0xb5: {  	[hbm4b:s4+s2] =	stream.indirect_vreg.scatter [tilespmem:s0], [sflag:$0x2], $0x80, v3, vm0, $0xb8;
	[tilespmem:$0xC100] =	vst v63  }
0xb6: {  	s11 =	simm.s32 $0x1  }
0xb7: {  	[hbm4b:s5+s2] =	stream.indirect_vreg.scatter [tilespmem:s8], [sflag:$0x2], $0x80, v3, vm0, $0xb8;
	[tilespmem:$0xC100] =	vst v63  }
0xb8: {  	p0 =	sne.s32 s6, $0x1;
	_ =	swait.ge [sflag:s11], $0xC000  }
.Ltmp0:
0xb9: {  	[sflag:s11] =	ssyncset.done $0x0;
	(pc) =	sbr.rel @p0 .LBB2_1-.Ltmp0, $4  }
0xba: {  	[sflag:s11] =	ssyncadd.s32 $0xFFFF4000  }
0xbb: {  	_ =	swait.ge [sflag:s9], $0xC000  }
0xbc: {  	[sflag:s9] =	ssyncset.done $0x0  }
0xbd: {  	s6 =	sadd.s32 $0xFFFFFFFF, s6;
	[sflag:s9] =	ssyncadd.s32 $0xFFFF4000  }
0xbe: {  	_ =	sfence.sel $0x180000  }
0xbf: {  	[bflag:$0x0] =	sbarrier.arrive $0xFFFF  }
0xc0: {  	_ =	strace $0x90000047  }
0xc1: {  	s0 =	stileid.u32;
	[bflag:$0x2] =	sbarrier.arrive $0xFFFF  }
0xc2: {  	p0 =	sne.s32 s0, $0x0;
	s0 =	rddreg [dreg:$0x2]  }
0xc3: {  	s0 =	sadd.s32 @!p0 $0x100000, s0  }
0xc4: {  	[sflag:s0] =	ssyncadd.tile.s32 @!p0 $0x1;
	_ =	shalt  }
.Lfunc_end2:
_tile_overlayer_lowered:
.L_overlay_start_2:
0xc5: {  	(tag) =	ssettag $0x2  }
0xc6: {  	s0 =	rddreg [dreg:$0x0];
	s2 =	stileid.u32  }
0xc7: {  	s1 =	rddreg [dreg:$0x1];
	p0 =	sne.s32 s2, $0x0  }
0xc8: {  	s3 =	rddreg [dreg:$0x2];
	[bflag:$0x3] =	sbarrier.arrive $0xFFFF;
	s2 =	simm.s32 @!p0 $0x1C03  }
0xc9: {  	[timem:s3], [sflag:s2] =	dma.local @!p0 [hbm:s0], s1  }
0xca: {  	s0 =	simm.s32 @!p0 $0x3  }
0xcb: {  	_ =	swait.ge @!p0 [sflag:s0], s1  }
0xcc: {  	s1 =	ssub.s32 @!p0 $0x0, s1;
	[sflag:s0] =	ssyncset.done @!p0 $0x0  }
0xcd: {  	[sflag:s0] =	ssyncadd.s32 @!p0 s1  }
0xce: {  	[bflag:$0x3] =	sbarrier.arrive $0xFFFF  }
0xcf: {  	_ =	shalt  }

</sc_bundles>
